<compile_context>
chip_gen: v7x
topology: tpu7x:2x2x1
jax: 0.10.2.dev20260603
libtpu: 0.0.44.dev20260713+nightly
codegen_flags: <defaults>
</compile_context>

<pallas_src>
import functools

import jax
import jax.numpy as jnp
from jax import lax
from jax.experimental import pallas as pl
from jax.experimental.pallas import tpu as pltpu
from jax.experimental.pallas import tpu_sc as plsc

N = 10000
E = 320000
F = 128
H = 132

NC, NS = 2, 16
NW = NC * NS
CHUNK = 128
NBUF = 4
NCH = 80
NG = NCH // NBUF
EPT = NCH * CHUNK
EP = NW * EPT
ROWS = 10112
SLAB = ROWS // NS

RB = 400
GRID = N // RB


def _sc_degree():
    mesh = plsc.VectorSubcoreMesh(core_axis_name="c", subcore_axis_name="s")

    @functools.partial(
        pl.kernel,
        out_type=jax.ShapeDtypeStruct((NC, ROWS, F), jnp.float32),
        mesh=mesh,
        scratch_types=[
            pltpu.VMEM((NCH, CHUNK), jnp.int32),
            pltpu.VMEM((CHUNK, F), jnp.float32),
            pltpu.VMEM_SHARED((ROWS, F), jnp.float32),
        ],
    )
    def deg_kernel(dstp, zerosf, onesf, out, idx_d, ones_v, acc):
        c = lax.axis_index("c")
        s = lax.axis_index("s")
        wid = s * NC + c
        pltpu.sync_copy(zerosf.at[pl.ds(s * SLAB, SLAB)],
                        acc.at[pl.ds(s * SLAB, SLAB)])
        pltpu.sync_copy(dstp.at[wid], idx_d)
        pltpu.sync_copy(onesf, ones_v)
        plsc.subcore_barrier()

        def chunk(j, carry):
            pltpu.sync_copy(ones_v, acc.at[idx_d.at[j]], add=True)
            return carry

        lax.fori_loop(0, NCH, chunk, 0)
        plsc.subcore_barrier()
        pltpu.sync_copy(acc.at[pl.ds(s * SLAB, SLAB)],
                        out.at[c, pl.ds(s * SLAB, SLAB)])

    return deg_kernel


def _sc_scatter():
    mesh = plsc.VectorSubcoreMesh(core_axis_name="c", subcore_axis_name="s")

    @functools.partial(
        pl.kernel,
        out_type=jax.ShapeDtypeStruct((NC, ROWS, F), jnp.float32),
        mesh=mesh,
        scratch_types=[
            pltpu.VMEM((NCH, CHUNK), jnp.int32),
            pltpu.VMEM((NCH, CHUNK), jnp.int32),
            *[pltpu.VMEM((CHUNK, F), jnp.float32) for _ in range(NBUF)],
            pltpu.SemaphoreType.DMA,
            pltpu.VMEM_SHARED((ROWS, F), jnp.float32),
        ],
    )
    def scat_kernel(y, srcp, dstp, zeros, out, idx_s, idx_d, b0, b1, b2, b3,
                    gsem, acc):
        buf = [b0, b1, b2, b3]
        c = lax.axis_index("c")
        s = lax.axis_index("s")
        wid = s * NC + c
        pltpu.sync_copy(zeros.at[pl.ds(s * SLAB, SLAB)],
                        acc.at[pl.ds(s * SLAB, SLAB)])
        pltpu.sync_copy(srcp.at[wid], idx_s)
        pltpu.sync_copy(dstp.at[wid], idx_d)
        plsc.subcore_barrier()

        def chunk(j, carry):
            pltpu.async_copy(y.at[idx_s.at[j]], buf[0], gsem).wait()
            pltpu.sync_copy(buf[0], acc.at[idx_d.at[j]], add=True)
            return carry

        lax.fori_loop(0, NCH, chunk, 0)
        plsc.subcore_barrier()
        pltpu.sync_copy(acc.at[pl.ds(s * SLAB, SLAB)],
                        out.at[c, pl.ds(s * SLAB, SLAB)])

    return scat_kernel


def _dinv_of(degp_ref):
    deg = degp_ref[0, :, 0] + degp_ref[1, :, 0] + 1.0
    return lax.rsqrt(deg)[:, None]


_DEG_SPEC = pl.BlockSpec((NC, RB, F), lambda i: (0, i, 0))
_ACC_SPEC = pl.BlockSpec((NC, RB, F), lambda i: (0, i, 0))
_ROW_SPEC = pl.BlockSpec((RB, F), lambda i: (i, 0))
_XP_SPEC = pl.BlockSpec((RB, 4), lambda i: (i, 0))


def _tc_pre(degp, x, wp):
    def body(d_ref, x_ref, wp_ref, y0_ref, xp_ref):
        xv = x_ref[...]
        y0_ref[...] = _dinv_of(d_ref) * xv
        xp_ref[...] = jnp.dot(xv, wp_ref[...],
                              preferred_element_type=jnp.float32)

    return pl.pallas_call(
        body,
        grid=(GRID,),
        in_specs=[_DEG_SPEC, _ROW_SPEC, pl.BlockSpec((F, 4), lambda i: (0, 0))],
        out_specs=[_ROW_SPEC, _XP_SPEC],
        out_shape=[jax.ShapeDtypeStruct((N, F), jnp.float32),
                   jax.ShapeDtypeStruct((N, 4), jnp.float32)],
    )(degp, x, wp)


def _tc_mid(degp, p1, y0, wcat, b1):
    def body(d_ref, p_ref, y0_ref, w_ref, b1_ref, g_ref, axp_ref):
        dinv = _dinv_of(d_ref)
        z1 = dinv * (p_ref[0] + p_ref[1] + y0_ref[...])
        zw = jnp.dot(z1, w_ref[...], preferred_element_type=jnp.float32)
        h = jnp.maximum(zw[:, :F] + b1_ref[...], 0.0)
        g_ref[...] = dinv * h
        axp_ref[...] = zw[:, F:F + 4]

    return pl.pallas_call(
        body,
        grid=(GRID,),
        in_specs=[
            _DEG_SPEC, _ACC_SPEC, _ROW_SPEC,
            pl.BlockSpec((F, F + 8), lambda i: (0, 0)),
            pl.BlockSpec((1, F), lambda i: (0, 0)),
        ],
        out_specs=[_ROW_SPEC, _XP_SPEC],
        out_shape=[jax.ShapeDtypeStruct((N, F), jnp.float32),
                   jax.ShapeDtypeStruct((N, 4), jnp.float32)],
    )(degp, p1, y0, wcat, b1)


def _tc_final(degp, q, g, axp, xproj, w2h, w2p, b2):
    def body(d_ref, q_ref, g_ref, axp_ref, xp_ref, w2h_ref, w2p_ref, b2_ref,
             o_ref):
        dinv = _dinv_of(d_ref)
        ah = dinv * (q_ref[0] + q_ref[1] + g_ref[...])
        out2 = jnp.dot(ah, w2h_ref[...], preferred_element_type=jnp.float32)
        out2 = out2 + jnp.dot(axp_ref[...], w2p_ref[...],
                              preferred_element_type=jnp.float32)
        out2 = out2 + b2_ref[...]
        o_ref[...] = jnp.concatenate([out2, xp_ref[...]], axis=1)

    return pl.pallas_call(
        body,
        grid=(GRID,),
        in_specs=[
            _DEG_SPEC, _ACC_SPEC, _ROW_SPEC, _XP_SPEC, _XP_SPEC,
            pl.BlockSpec((F, H), lambda i: (0, 0)),
            pl.BlockSpec((4, H), lambda i: (0, 0)),
            pl.BlockSpec((1, H), lambda i: (0, 0)),
        ],
        out_specs=pl.BlockSpec((RB, H + 4), lambda i: (i, 0)),
        out_shape=jax.ShapeDtypeStruct((N, H + 4), jnp.float32),
    )(degp, q, g, axp, xproj, w2h, w2p, b2)


def kernel(edge_index, x, Wp, W1, b1, W2, b2):
    src = edge_index[0]
    dst = edge_index[1]
    ppt = EPT - E // NW
    pad_dst = (N + jnp.arange(NW * ppt, dtype=jnp.int32) % (ROWS - N)
               ).reshape(NW, ppt)
    pad_src = (jnp.arange(NW * ppt, dtype=jnp.int32) % N).reshape(NW, ppt)
    srcp = jnp.concatenate(
        [src.reshape(NW, E // NW), pad_src], axis=1).reshape(NW, NCH, CHUNK)
    dstp = jnp.concatenate(
        [dst.reshape(NW, E // NW), pad_dst], axis=1).reshape(NW, NCH, CHUNK)

    wcat = jnp.zeros((F, F + 8), jnp.float32)
    wcat = wcat.at[:, :F].set(W1).at[:, F:F + 4].set(Wp)
    b1r = b1.reshape(1, F)
    b2r = b2.reshape(1, H)
    w2h = W2[:F]
    w2p = W2[F:H]

    onesf = jnp.ones((CHUNK, F), jnp.float32)
    zerosf = jnp.zeros((ROWS, F), jnp.float32)

    degp = _sc_degree()(dstp, zerosf, onesf)
    y0, xproj = _tc_pre(degp, x, Wp)
    p1 = _sc_scatter()(y0, srcp, dstp, zerosf)
    g, axp = _tc_mid(degp, p1, y0, wcat, b1r)
    q = _sc_scatter()(g, srcp, dstp, zerosf)
    return _tc_final(degp, q, g, axp, xproj, w2h, w2p, b2r)

# --- scband reference (transcript-rebuilt; emitter-appended) ---
"""Pipeline reference for scband-dgcnencoder-2843268350769 (READ-ONLY COPY).

The authoritative reference and input builder live on the scoring server;
editing this copy changes nothing except your own understanding.
"""

import jax, jax.numpy as jnp
import numpy as np

N = 10000
E = 320000
NFEATS = 128
NHIDS = 128
PROJ = 4
H = NHIDS + PROJ  # 132, hidden width after concat skip


def glorot(key, fan_in, fan_out):
    std = (2.0 / (fan_in + fan_out)) ** 0.5
    return jax.random.normal(key, (fan_in, fan_out), dtype=jnp.float32) * std


def setup_inputs(seed: int = 0) -> dict:
    key = jax.random.key(seed)
    ks = jax.random.split(key, 8)
    x = jax.random.normal(ks[0], (N, NFEATS), dtype=jnp.float32)
    edge_index = jax.random.randint(ks[1], (2, E), 0, N, dtype=jnp.int32)
    # projection: nn.Linear(nfeats, proj_dim, bias=False) -> stored as [nfeats, proj_dim]
    Wp = glorot(ks[2], NFEATS, PROJ)
    # conv1: GCNConv(nfeats, nhids)
    W1 = glorot(ks[3], NFEATS, NHIDS)
    b1 = jnp.zeros((NHIDS,), dtype=jnp.float32)
    # conv2: GCNConv(nhids+proj, nhids+proj)
    W2 = glorot(ks[4], H, H)
    b2 = jnp.zeros((H,), dtype=jnp.float32)
    return {"edge_index": edge_index, "x": x, "Wp": Wp, "W1": W1, "b1": b1, "W2": W2, "b2": b2}


def gcn_conv(x, edge_index, W, b):
    # PyG GCNConv with add_self_loops=True, symmetric normalization
    n = x.shape[0]
    src = edge_index[0]
    dst = edge_index[1]
    sl = jnp.arange(n, dtype=src.dtype)
    src = jnp.concatenate([src, sl])
    dst = jnp.concatenate([dst, sl])
    ew = jnp.ones(src.shape[0], dtype=x.dtype)
    deg = jax.ops.segment_sum(ew, dst, num_segments=n)
    dinv = jnp.where(deg > 0, deg ** -0.5, 0.0)
    norm = dinv[src] * dinv[dst]
    xw = x @ W
    msg = xw[src] * norm[:, None]
    out = jax.ops.segment_sum(msg, dst, num_segments=n)
    return out + b


def reference(edge_index, x, Wp, W1, b1, W2, b2):
    x_proj = x @ Wp
    h = jax.nn.relu(gcn_conv(x, edge_index, W1, b1))
    # dropout(p=0.5) is identity in eval mode (training=False)
    h = jnp.concatenate([h, x_proj], axis=1)  # skip_connection == 'concat'
    h = gcn_conv(h, edge_index, W2, b2)
    return jnp.concatenate([h, x_proj], axis=1)

if __name__ == "__main__":
    import jax
    _d = setup_inputs()
    print(jax.jit(kernel)(*tuple(_d.values())))

</pallas_src>

<mosaic_0001>
#map = affine_map<(d0, d1) -> (0, 0)>
#map1 = affine_map<(d0, d1) -> (0, 0, 0)>
module attributes {stable_mosaic.version = 14 : i64} {
  func.func @scat_kernel(%arg0: i32, %arg1: i32, %arg2: memref<10000x128xf32, #tpu.memory_space<hbm>>, %arg3: memref<32x80x128xi32, #tpu.memory_space<hbm>>, %arg4: memref<32x80x128xi32, #tpu.memory_space<hbm>>, %arg5: memref<10112x128xf32, #tpu.memory_space<hbm>>, %arg6: memref<2x10112x128xf32, #tpu.memory_space<hbm>>, %arg7: memref<80x128xi32, #tpu.memory_space<vmem>>, %arg8: memref<80x128xi32, #tpu.memory_space<vmem>>, %arg9: memref<128x128xf32, #tpu.memory_space<vmem>>, %arg10: memref<128x128xf32, #tpu.memory_space<vmem>>, %arg11: memref<128x128xf32, #tpu.memory_space<vmem>>, %arg12: memref<128x128xf32, #tpu.memory_space<vmem>>, %arg13: memref<!tpu.dma_semaphore, #tpu.memory_space<semaphore_mem>>, %arg14: memref<10112x128xf32, #tpu.memory_space<vmem_shared>>) attributes {dimension_semantics = [#tpu.dimension_semantics<core_parallel>, #tpu.dimension_semantics<subcore_parallel>], iteration_bounds = array<i64: 2, 16>, scalar_prefetch = 0 : i64, scratch_operands = 8 : i64, tpu.core_type = #tpu.core_type<sc_vector_subcore>, window_params = [{transform_indices = #map}, {transform_indices = #map1}, {transform_indices = #map1}, {transform_indices = #map}, {transform_indices = #map1}]} {
    %mul3A = arith.constant 2 : i32
    %mul3A_0 = arith.muli %arg1, %mul3A : i32
    %add3A = arith.addi %mul3A_0, %arg0 : i32
    %mul3A_1 = arith.constant 632 : i32
    %mul3A_2 = arith.muli %arg1, %mul3A_1 : i32
    %mul3A_3 = arith.constant 632 : i32
    %mul3A_4 = arith.muli %arg1, %mul3A_3 : i32
    "tpu.region"() ({
      %run_scoped3A = tpu.sem_alloc : memref<!tpu.dma_semaphore, #tpu.memory_space<semaphore_mem>>
      %dma_start3A = arith.constant 0 : i32
      %dma_start3A_15 = tpu.memref_slice %arg14[%mul3A_4, %dma_start3A] : memref<10112x128xf32, #tpu.memory_space<vmem_shared>> -> memref<632x128xf32, #tpu.memory_space<vmem_shared>>
      %dma_start3A_16 = arith.constant 0 : i32
      %dma_start3A_17 = tpu.memref_slice %arg5[%mul3A_2, %dma_start3A_16] : memref<10112x128xf32, #tpu.memory_space<hbm>> -> memref<632x128xf32, #tpu.memory_space<hbm>>
      tpu.enqueue_dma source(%dma_start3A_17 : memref<632x128xf32, #tpu.memory_space<hbm>>) target(%dma_start3A_15 : memref<632x128xf32, #tpu.memory_space<vmem_shared>>) target_semaphore(%run_scoped3A : memref<!tpu.dma_semaphore, #tpu.memory_space<semaphore_mem>>)
      %dma_wait3A = arith.constant 0 : i32
      %dma_wait3A_18 = tpu.memref_slice %arg14[%mul3A_4, %dma_wait3A] : memref<10112x128xf32, #tpu.memory_space<vmem_shared>> -> memref<632x128xf32, #tpu.memory_space<vmem_shared>>
      %dma_wait3A_19 = arith.constant 0 : i32
      %dma_wait3A_20 = tpu.memref_slice %arg5[%mul3A_2, %dma_wait3A_19] : memref<10112x128xf32, #tpu.memory_space<hbm>> -> memref<632x128xf32, #tpu.memory_space<hbm>>
      tpu.wait_dma2 semaphore(%run_scoped3A : memref<!tpu.dma_semaphore, #tpu.memory_space<semaphore_mem>>) src(%dma_wait3A_20 : memref<632x128xf32, #tpu.memory_space<hbm>>) dst(%dma_wait3A_18 : memref<632x128xf32, #tpu.memory_space<vmem_shared>>)
      tpu.yield
    }) : () -> ()
    "tpu.region"() ({
      %run_scoped3A = tpu.sem_alloc : memref<!tpu.dma_semaphore, #tpu.memory_space<semaphore_mem>>
      %dma_start3A = arith.constant 0 : i32
      %dma_start3A_15 = arith.constant 0 : i32
      %dma_start3A_16 = tpu.memref_slice %arg3[%add3A, %dma_start3A, %dma_start3A_15] : memref<32x80x128xi32, #tpu.memory_space<hbm>> -> memref<1x80x128xi32, #tpu.memory_space<hbm>>
      %dma_start3A_17 = tpu.memref_squeeze %dma_start3A_16 : memref<1x80x128xi32, #tpu.memory_space<hbm>> -> memref<80x128xi32, #tpu.memory_space<hbm>>
      %dma_start3A_18 = arith.constant 0 : i32
      %dma_start3A_19 = arith.constant 0 : i32
      %dma_start3A_20 = tpu.memref_slice %arg3[%add3A, %dma_start3A_18, %dma_start3A_19] : memref<32x80x128xi32, #tpu.memory_space<hbm>> -> memref<1x80x128xi32, #tpu.memory_space<hbm>>
      %dma_start3A_21 = tpu.memref_squeeze %dma_start3A_20 : memref<1x80x128xi32, #tpu.memory_space<hbm>> -> memref<80x128xi32, #tpu.memory_space<hbm>>
      tpu.enqueue_dma source(%dma_start3A_21 : memref<80x128xi32, #tpu.memory_space<hbm>>) target(%arg7 : memref<80x128xi32, #tpu.memory_space<vmem>>) target_semaphore(%run_scoped3A : memref<!tpu.dma_semaphore, #tpu.memory_space<semaphore_mem>>)
      %dma_wait3A = arith.constant 0 : i32
      %dma_wait3A_22 = arith.constant 0 : i32
      %dma_wait3A_23 = tpu.memref_slice %arg3[%add3A, %dma_wait3A, %dma_wait3A_22] : memref<32x80x128xi32, #tpu.memory_space<hbm>> -> memref<1x80x128xi32, #tpu.memory_space<hbm>>
      %dma_wait3A_24 = tpu.memref_squeeze %dma_wait3A_23 : memref<1x80x128xi32, #tpu.memory_space<hbm>> -> memref<80x128xi32, #tpu.memory_space<hbm>>
      %dma_wait3A_25 = arith.constant 0 : i32
      %dma_wait3A_26 = arith.constant 0 : i32
      %dma_wait3A_27 = tpu.memref_slice %arg3[%add3A, %dma_wait3A_25, %dma_wait3A_26] : memref<32x80x128xi32, #tpu.memory_space<hbm>> -> memref<1x80x128xi32, #tpu.memory_space<hbm>>
      %dma_wait3A_28 = tpu.memref_squeeze %dma_wait3A_27 : memref<1x80x128xi32, #tpu.memory_space<hbm>> -> memref<80x128xi32, #tpu.memory_space<hbm>>
      tpu.wait_dma2 semaphore(%run_scoped3A : memref<!tpu.dma_semaphore, #tpu.memory_space<semaphore_mem>>) src(%dma_wait3A_28 : memref<80x128xi32, #tpu.memory_space<hbm>>) dst(%arg7 : memref<80x128xi32, #tpu.memory_space<vmem>>)
      tpu.yield
    }) : () -> ()
    "tpu.region"() ({
      %run_scoped3A = tpu.sem_alloc : memref<!tpu.dma_semaphore, #tpu.memory_space<semaphore_mem>>
      %dma_start3A = arith.constant 0 : i32
      %dma_start3A_15 = arith.constant 0 : i32
      %dma_start3A_16 = tpu.memref_slice %arg4[%add3A, %dma_start3A, %dma_start3A_15] : memref<32x80x128xi32, #tpu.memory_space<hbm>> -> memref<1x80x128xi32, #tpu.memory_space<hbm>>
      %dma_start3A_17 = tpu.memref_squeeze %dma_start3A_16 : memref<1x80x128xi32, #tpu.memory_space<hbm>> -> memref<80x128xi32, #tpu.memory_space<hbm>>
      %dma_start3A_18 = arith.constant 0 : i32
      %dma_start3A_19 = arith.constant 0 : i32
      %dma_start3A_20 = tpu.memref_slice %arg4[%add3A, %dma_start3A_18, %dma_start3A_19] : memref<32x80x128xi32, #tpu.memory_space<hbm>> -> memref<1x80x128xi32, #tpu.memory_space<hbm>>
      %dma_start3A_21 = tpu.memref_squeeze %dma_start3A_20 : memref<1x80x128xi32, #tpu.memory_space<hbm>> -> memref<80x128xi32, #tpu.memory_space<hbm>>
      tpu.enqueue_dma source(%dma_start3A_21 : memref<80x128xi32, #tpu.memory_space<hbm>>) target(%arg8 : memref<80x128xi32, #tpu.memory_space<vmem>>) target_semaphore(%run_scoped3A : memref<!tpu.dma_semaphore, #tpu.memory_space<semaphore_mem>>)
      %dma_wait3A = arith.constant 0 : i32
      %dma_wait3A_22 = arith.constant 0 : i32
      %dma_wait3A_23 = tpu.memref_slice %arg4[%add3A, %dma_wait3A, %dma_wait3A_22] : memref<32x80x128xi32, #tpu.memory_space<hbm>> -> memref<1x80x128xi32, #tpu.memory_space<hbm>>
      %dma_wait3A_24 = tpu.memref_squeeze %dma_wait3A_23 : memref<1x80x128xi32, #tpu.memory_space<hbm>> -> memref<80x128xi32, #tpu.memory_space<hbm>>
      %dma_wait3A_25 = arith.constant 0 : i32
      %dma_wait3A_26 = arith.constant 0 : i32
      %dma_wait3A_27 = tpu.memref_slice %arg4[%add3A, %dma_wait3A_25, %dma_wait3A_26] : memref<32x80x128xi32, #tpu.memory_space<hbm>> -> memref<1x80x128xi32, #tpu.memory_space<hbm>>
      %dma_wait3A_28 = tpu.memref_squeeze %dma_wait3A_27 : memref<1x80x128xi32, #tpu.memory_space<hbm>> -> memref<80x128xi32, #tpu.memory_space<hbm>>
      tpu.wait_dma2 semaphore(%run_scoped3A : memref<!tpu.dma_semaphore, #tpu.memory_space<semaphore_mem>>) src(%dma_wait3A_28 : memref<80x128xi32, #tpu.memory_space<hbm>>) dst(%arg8 : memref<80x128xi32, #tpu.memory_space<vmem>>)
      tpu.yield
    }) : () -> ()
    %barrier3A = arith.constant 0 : index
    tpu.barrier barrier_id(%barrier3A)
    %scan3A = arith.constant 0 : i32
    %scan3A_5 = arith.constant 0 : i32
    %scan3A_6 = arith.constant 80 : i32
    %scan3A_7 = arith.addi %scan3A_5, %scan3A_6 : i32
    %scan3A_8 = arith.constant 1 : i32
    scf.for %scan3A_15 = %scan3A_5 to %scan3A_7 step %scan3A_8  : i32 {
      %dma_start3A = arith.constant 0 : i32
      %dma_start3A_16 = tpu.memref_slice %arg7[%scan3A_15, %dma_start3A] : memref<80x128xi32, #tpu.memory_space<vmem>> -> memref<1x128xi32, #tpu.memory_space<vmem>>
      %dma_start3A_17 = tpu.memref_squeeze %dma_start3A_16 : memref<1x128xi32, #tpu.memory_space<vmem>> -> memref<128xi32, #tpu.memory_space<vmem>>
      %dma_start3A_18 = arith.constant 0 : i32
      %dma_start3A_19 = arith.constant 0 : i32
      %dma_start3A_20 = tpu.memref_slice %arg2[%dma_start3A_18, %dma_start3A_19] : memref<10000x128xf32, #tpu.memory_space<hbm>> -> memref<10000x128xf32, #tpu.memory_space<hbm>>
      tpu.enqueue_indirect_dma source(%dma_start3A_20 : memref<10000x128xf32, #tpu.memory_space<hbm>>) target(%arg9 : memref<128x128xf32, #tpu.memory_space<vmem>>) offsets(%dma_start3A_17 : memref<128xi32, #tpu.memory_space<vmem>>) semaphore(%arg13 : memref<!tpu.dma_semaphore, #tpu.memory_space<semaphore_mem>>)
      %dma_wait3A = arith.constant 0 : i32
      %dma_wait3A_21 = tpu.memref_slice %arg7[%scan3A_15, %dma_wait3A] : memref<80x128xi32, #tpu.memory_space<vmem>> -> memref<1x128xi32, #tpu.memory_space<vmem>>
      %dma_wait3A_22 = tpu.memref_squeeze %dma_wait3A_21 : memref<1x128xi32, #tpu.memory_space<vmem>> -> memref<128xi32, #tpu.memory_space<vmem>>
      %dma_wait3A_23 = arith.constant 0 : i32
      %dma_wait3A_24 = arith.constant 0 : i32
      %dma_wait3A_25 = tpu.memref_slice %arg2[%dma_wait3A_23, %dma_wait3A_24] : memref<10000x128xf32, #tpu.memory_space<hbm>> -> memref<10000x128xf32, #tpu.memory_space<hbm>>
      tpu.wait_indirect_dma semaphore(%arg13 : memref<!tpu.dma_semaphore, #tpu.memory_space<semaphore_mem>>) src(%dma_wait3A_25 : memref<10000x128xf32, #tpu.memory_space<hbm>>) dst(%arg9 : memref<128x128xf32, #tpu.memory_space<vmem>>)
      "tpu.region"() ({
        %run_scoped3A = tpu.sem_alloc : memref<!tpu.dma_semaphore, #tpu.memory_space<semaphore_mem>>
        %dma_start3A_26 = arith.constant 0 : i32
        %dma_start3A_27 = tpu.memref_slice %arg8[%scan3A_15, %dma_start3A_26] : memref<80x128xi32, #tpu.memory_space<vmem>> -> memref<1x128xi32, #tpu.memory_space<vmem>>
        %dma_start3A_28 = tpu.memref_squeeze %dma_start3A_27 : memref<1x128xi32, #tpu.memory_space<vmem>> -> memref<128xi32, #tpu.memory_space<vmem>>
        %dma_start3A_29 = arith.constant 0 : i32
        %dma_start3A_30 = arith.constant 0 : i32
        %dma_start3A_31 = tpu.memref_slice %arg14[%dma_start3A_29, %dma_start3A_30] : memref<10112x128xf32, #tpu.memory_space<vmem_shared>> -> memref<10112x128xf32, #tpu.memory_space<vmem_shared>>
        tpu.enqueue_indirect_dma source(%arg9 : memref<128x128xf32, #tpu.memory_space<vmem>>) target(%dma_start3A_31 : memref<10112x128xf32, #tpu.memory_space<vmem_shared>>) offsets(%dma_start3A_28 : memref<128xi32, #tpu.memory_space<vmem>>) semaphore(%run_scoped3A : memref<!tpu.dma_semaphore, #tpu.memory_space<semaphore_mem>>) {add = true}
        %dma_wait3A_32 = arith.constant 0 : i32
        %dma_wait3A_33 = tpu.memref_slice %arg8[%scan3A_15, %dma_wait3A_32] : memref<80x128xi32, #tpu.memory_space<vmem>> -> memref<1x128xi32, #tpu.memory_space<vmem>>
        %dma_wait3A_34 = tpu.memref_squeeze %dma_wait3A_33 : memref<1x128xi32, #tpu.memory_space<vmem>> -> memref<128xi32, #tpu.memory_space<vmem>>
        %dma_wait3A_35 = arith.constant 0 : i32
        %dma_wait3A_36 = arith.constant 0 : i32
        %dma_wait3A_37 = tpu.memref_slice %arg14[%dma_wait3A_35, %dma_wait3A_36] : memref<10112x128xf32, #tpu.memory_space<vmem_shared>> -> memref<10112x128xf32, #tpu.memory_space<vmem_shared>>
        tpu.wait_indirect_dma semaphore(%run_scoped3A : memref<!tpu.dma_semaphore, #tpu.memory_space<semaphore_mem>>) src(%arg9 : memref<128x128xf32, #tpu.memory_space<vmem>>) dst(%dma_wait3A_37 : memref<10112x128xf32, #tpu.memory_space<vmem_shared>>)
        tpu.yield
      }) : () -> ()
    }
    %scan3A_9 = arith.constant 80 : i32
    %barrier3A_10 = arith.constant 0 : index
    tpu.barrier barrier_id(%barrier3A_10)
    %mul3A_11 = arith.constant 632 : i32
    %mul3A_12 = arith.muli %arg1, %mul3A_11 : i32
    %mul3A_13 = arith.constant 632 : i32
    %mul3A_14 = arith.muli %arg1, %mul3A_13 : i32
    "tpu.region"() ({
      %run_scoped3A = tpu.sem_alloc : memref<!tpu.dma_semaphore, #tpu.memory_space<semaphore_mem>>
      %dma_start3A = arith.constant 0 : i32
      %dma_start3A_15 = tpu.memref_slice %arg6[%arg0, %mul3A_14, %dma_start3A] : memref<2x10112x128xf32, #tpu.memory_space<hbm>> -> memref<1x632x128xf32, #tpu.memory_space<hbm>>
      %dma_start3A_16 = tpu.memref_squeeze %dma_start3A_15 : memref<1x632x128xf32, #tpu.memory_space<hbm>> -> memref<632x128xf32, #tpu.memory_space<hbm>>
      %dma_start3A_17 = arith.constant 0 : i32
      %dma_start3A_18 = tpu.memref_slice %arg14[%mul3A_12, %dma_start3A_17] : memref<10112x128xf32, #tpu.memory_space<vmem_shared>> -> memref<632x128xf32, #tpu.memory_space<vmem_shared>>
      tpu.enqueue_dma source(%dma_start3A_18 : memref<632x128xf32, #tpu.memory_space<vmem_shared>>) target(%dma_start3A_16 : memref<632x128xf32, #tpu.memory_space<hbm>>) target_semaphore(%run_scoped3A : memref<!tpu.dma_semaphore, #tpu.memory_space<semaphore_mem>>)
      %dma_wait3A = arith.constant 0 : i32
      %dma_wait3A_19 = tpu.memref_slice %arg6[%arg0, %mul3A_14, %dma_wait3A] : memref<2x10112x128xf32, #tpu.memory_space<hbm>> -> memref<1x632x128xf32, #tpu.memory_space<hbm>>
      %dma_wait3A_20 = tpu.memref_squeeze %dma_wait3A_19 : memref<1x632x128xf32, #tpu.memory_space<hbm>> -> memref<632x128xf32, #tpu.memory_space<hbm>>
      %dma_wait3A_21 = arith.constant 0 : i32
      %dma_wait3A_22 = tpu.memref_slice %arg14[%mul3A_12, %dma_wait3A_21] : memref<10112x128xf32, #tpu.memory_space<vmem_shared>> -> memref<632x128xf32, #tpu.memory_space<vmem_shared>>
      tpu.wait_dma2 semaphore(%run_scoped3A : memref<!tpu.dma_semaphore, #tpu.memory_space<semaphore_mem>>) src(%dma_wait3A_22 : memref<632x128xf32, #tpu.memory_space<vmem_shared>>) dst(%dma_wait3A_20 : memref<632x128xf32, #tpu.memory_space<hbm>>)
      tpu.yield
    }) : () -> ()
    return
  }
}

#map = affine_map<(d0, d1) -> (0, 0, 0)>
#map1 = affine_map<(d0, d1) -> (0, 0)>
module attributes {stable_mosaic.version = 14 : i64} {
  func.func @deg_kernel(%arg0: i32, %arg1: i32, %arg2: memref<32x80x128xi32, #tpu.memory_space<hbm>>, %arg3: memref<10112x128xf32, #tpu.memory_space<hbm>>, %arg4: memref<128x128xf32, #tpu.memory_space<hbm>>, %arg5: memref<2x10112x128xf32, #tpu.memory_space<hbm>>, %arg6: memref<80x128xi32, #tpu.memory_space<vmem>>, %arg7: memref<128x128xf32, #tpu.memory_space<vmem>>, %arg8: memref<10112x128xf32, #tpu.memory_space<vmem_shared>>) attributes {dimension_semantics = [#tpu.dimension_semantics<core_parallel>, #tpu.dimension_semantics<subcore_parallel>], iteration_bounds = array<i64: 2, 16>, scalar_prefetch = 0 : i64, scratch_operands = 3 : i64, tpu.core_type = #tpu.core_type<sc_vector_subcore>, window_params = [{transform_indices = #map}, {transform_indices = #map1}, {transform_indices = #map1}, {transform_indices = #map}]} {
    %mul3A = arith.constant 2 : i32
    %mul3A_0 = arith.muli %arg1, %mul3A : i32
    %add3A = arith.addi %mul3A_0, %arg0 : i32
    %mul3A_1 = arith.constant 632 : i32
    %mul3A_2 = arith.muli %arg1, %mul3A_1 : i32
    %mul3A_3 = arith.constant 632 : i32
    %mul3A_4 = arith.muli %arg1, %mul3A_3 : i32
    "tpu.region"() ({
      %run_scoped3A = tpu.sem_alloc : memref<!tpu.dma_semaphore, #tpu.memory_space<semaphore_mem>>
      %dma_start3A = arith.constant 0 : i32
      %dma_start3A_15 = tpu.memref_slice %arg8[%mul3A_4, %dma_start3A] : memref<10112x128xf32, #tpu.memory_space<vmem_shared>> -> memref<632x128xf32, #tpu.memory_space<vmem_shared>>
      %dma_start3A_16 = arith.constant 0 : i32
      %dma_start3A_17 = tpu.memref_slice %arg3[%mul3A_2, %dma_start3A_16] : memref<10112x128xf32, #tpu.memory_space<hbm>> -> memref<632x128xf32, #tpu.memory_space<hbm>>
      tpu.enqueue_dma source(%dma_start3A_17 : memref<632x128xf32, #tpu.memory_space<hbm>>) target(%dma_start3A_15 : memref<632x128xf32, #tpu.memory_space<vmem_shared>>) target_semaphore(%run_scoped3A : memref<!tpu.dma_semaphore, #tpu.memory_space<semaphore_mem>>)
      %dma_wait3A = arith.constant 0 : i32
      %dma_wait3A_18 = tpu.memref_slice %arg8[%mul3A_4, %dma_wait3A] : memref<10112x128xf32, #tpu.memory_space<vmem_shared>> -> memref<632x128xf32, #tpu.memory_space<vmem_shared>>
      %dma_wait3A_19 = arith.constant 0 : i32
      %dma_wait3A_20 = tpu.memref_slice %arg3[%mul3A_2, %dma_wait3A_19] : memref<10112x128xf32, #tpu.memory_space<hbm>> -> memref<632x128xf32, #tpu.memory_space<hbm>>
      tpu.wait_dma2 semaphore(%run_scoped3A : memref<!tpu.dma_semaphore, #tpu.memory_space<semaphore_mem>>) src(%dma_wait3A_20 : memref<632x128xf32, #tpu.memory_space<hbm>>) dst(%dma_wait3A_18 : memref<632x128xf32, #tpu.memory_space<vmem_shared>>)
      tpu.yield
    }) : () -> ()
    "tpu.region"() ({
      %run_scoped3A = tpu.sem_alloc : memref<!tpu.dma_semaphore, #tpu.memory_space<semaphore_mem>>
      %dma_start3A = arith.constant 0 : i32
      %dma_start3A_15 = arith.constant 0 : i32
      %dma_start3A_16 = tpu.memref_slice %arg2[%add3A, %dma_start3A, %dma_start3A_15] : memref<32x80x128xi32, #tpu.memory_space<hbm>> -> memref<1x80x128xi32, #tpu.memory_space<hbm>>
      %dma_start3A_17 = tpu.memref_squeeze %dma_start3A_16 : memref<1x80x128xi32, #tpu.memory_space<hbm>> -> memref<80x128xi32, #tpu.memory_space<hbm>>
      %dma_start3A_18 = arith.constant 0 : i32
      %dma_start3A_19 = arith.constant 0 : i32
      %dma_start3A_20 = tpu.memref_slice %arg2[%add3A, %dma_start3A_18, %dma_start3A_19] : memref<32x80x128xi32, #tpu.memory_space<hbm>> -> memref<1x80x128xi32, #tpu.memory_space<hbm>>
      %dma_start3A_21 = tpu.memref_squeeze %dma_start3A_20 : memref<1x80x128xi32, #tpu.memory_space<hbm>> -> memref<80x128xi32, #tpu.memory_space<hbm>>
      tpu.enqueue_dma source(%dma_start3A_21 : memref<80x128xi32, #tpu.memory_space<hbm>>) target(%arg6 : memref<80x128xi32, #tpu.memory_space<vmem>>) target_semaphore(%run_scoped3A : memref<!tpu.dma_semaphore, #tpu.memory_space<semaphore_mem>>)
      %dma_wait3A = arith.constant 0 : i32
      %dma_wait3A_22 = arith.constant 0 : i32
      %dma_wait3A_23 = tpu.memref_slice %arg2[%add3A, %dma_wait3A, %dma_wait3A_22] : memref<32x80x128xi32, #tpu.memory_space<hbm>> -> memref<1x80x128xi32, #tpu.memory_space<hbm>>
      %dma_wait3A_24 = tpu.memref_squeeze %dma_wait3A_23 : memref<1x80x128xi32, #tpu.memory_space<hbm>> -> memref<80x128xi32, #tpu.memory_space<hbm>>
      %dma_wait3A_25 = arith.constant 0 : i32
      %dma_wait3A_26 = arith.constant 0 : i32
      %dma_wait3A_27 = tpu.memref_slice %arg2[%add3A, %dma_wait3A_25, %dma_wait3A_26] : memref<32x80x128xi32, #tpu.memory_space<hbm>> -> memref<1x80x128xi32, #tpu.memory_space<hbm>>
      %dma_wait3A_28 = tpu.memref_squeeze %dma_wait3A_27 : memref<1x80x128xi32, #tpu.memory_space<hbm>> -> memref<80x128xi32, #tpu.memory_space<hbm>>
      tpu.wait_dma2 semaphore(%run_scoped3A : memref<!tpu.dma_semaphore, #tpu.memory_space<semaphore_mem>>) src(%dma_wait3A_28 : memref<80x128xi32, #tpu.memory_space<hbm>>) dst(%arg6 : memref<80x128xi32, #tpu.memory_space<vmem>>)
      tpu.yield
    }) : () -> ()
    "tpu.region"() ({
      %run_scoped3A = tpu.sem_alloc : memref<!tpu.dma_semaphore, #tpu.memory_space<semaphore_mem>>
      tpu.enqueue_dma source(%arg4 : memref<128x128xf32, #tpu.memory_space<hbm>>) target(%arg7 : memref<128x128xf32, #tpu.memory_space<vmem>>) target_semaphore(%run_scoped3A : memref<!tpu.dma_semaphore, #tpu.memory_space<semaphore_mem>>)
      tpu.wait_dma2 semaphore(%run_scoped3A : memref<!tpu.dma_semaphore, #tpu.memory_space<semaphore_mem>>) src(%arg4 : memref<128x128xf32, #tpu.memory_space<hbm>>) dst(%arg7 : memref<128x128xf32, #tpu.memory_space<vmem>>)
      tpu.yield
    }) : () -> ()
    %barrier3A = arith.constant 0 : index
    tpu.barrier barrier_id(%barrier3A)
    %scan3A = arith.constant 0 : i32
    %scan3A_5 = arith.constant 0 : i32
    %scan3A_6 = arith.constant 80 : i32
    %scan3A_7 = arith.addi %scan3A_5, %scan3A_6 : i32
    %scan3A_8 = arith.constant 1 : i32
    scf.for %scan3A_15 = %scan3A_5 to %scan3A_7 step %scan3A_8  : i32 {
      "tpu.region"() ({
        %run_scoped3A = tpu.sem_alloc : memref<!tpu.dma_semaphore, #tpu.memory_space<semaphore_mem>>
        %dma_start3A = arith.constant 0 : i32
        %dma_start3A_16 = tpu.memref_slice %arg6[%scan3A_15, %dma_start3A] : memref<80x128xi32, #tpu.memory_space<vmem>> -> memref<1x128xi32, #tpu.memory_space<vmem>>
        %dma_start3A_17 = tpu.memref_squeeze %dma_start3A_16 : memref<1x128xi32, #tpu.memory_space<vmem>> -> memref<128xi32, #tpu.memory_space<vmem>>
        %dma_start3A_18 = arith.constant 0 : i32
        %dma_start3A_19 = arith.constant 0 : i32
        %dma_start3A_20 = tpu.memref_slice %arg8[%dma_start3A_18, %dma_start3A_19] : memref<10112x128xf32, #tpu.memory_space<vmem_shared>> -> memref<10112x128xf32, #tpu.memory_space<vmem_shared>>
        tpu.enqueue_indirect_dma source(%arg7 : memref<128x128xf32, #tpu.memory_space<vmem>>) target(%dma_start3A_20 : memref<10112x128xf32, #tpu.memory_space<vmem_shared>>) offsets(%dma_start3A_17 : memref<128xi32, #tpu.memory_space<vmem>>) semaphore(%run_scoped3A : memref<!tpu.dma_semaphore, #tpu.memory_space<semaphore_mem>>) {add = true}
        %dma_wait3A = arith.constant 0 : i32
        %dma_wait3A_21 = tpu.memref_slice %arg6[%scan3A_15, %dma_wait3A] : memref<80x128xi32, #tpu.memory_space<vmem>> -> memref<1x128xi32, #tpu.memory_space<vmem>>
        %dma_wait3A_22 = tpu.memref_squeeze %dma_wait3A_21 : memref<1x128xi32, #tpu.memory_space<vmem>> -> memref<128xi32, #tpu.memory_space<vmem>>
        %dma_wait3A_23 = arith.constant 0 : i32
        %dma_wait3A_24 = arith.constant 0 : i32
        %dma_wait3A_25 = tpu.memref_slice %arg8[%dma_wait3A_23, %dma_wait3A_24] : memref<10112x128xf32, #tpu.memory_space<vmem_shared>> -> memref<10112x128xf32, #tpu.memory_space<vmem_shared>>
        tpu.wait_indirect_dma semaphore(%run_scoped3A : memref<!tpu.dma_semaphore, #tpu.memory_space<semaphore_mem>>) src(%arg7 : memref<128x128xf32, #tpu.memory_space<vmem>>) dst(%dma_wait3A_25 : memref<10112x128xf32, #tpu.memory_space<vmem_shared>>)
        tpu.yield
      }) : () -> ()
    }
    %scan3A_9 = arith.constant 80 : i32
    %barrier3A_10 = arith.constant 0 : index
    tpu.barrier barrier_id(%barrier3A_10)
    %mul3A_11 = arith.constant 632 : i32
    %mul3A_12 = arith.muli %arg1, %mul3A_11 : i32
    %mul3A_13 = arith.constant 632 : i32
    %mul3A_14 = arith.muli %arg1, %mul3A_13 : i32
    "tpu.region"() ({
      %run_scoped3A = tpu.sem_alloc : memref<!tpu.dma_semaphore, #tpu.memory_space<semaphore_mem>>
      %dma_start3A = arith.constant 0 : i32
      %dma_start3A_15 = tpu.memref_slice %arg5[%arg0, %mul3A_14, %dma_start3A] : memref<2x10112x128xf32, #tpu.memory_space<hbm>> -> memref<1x632x128xf32, #tpu.memory_space<hbm>>
      %dma_start3A_16 = tpu.memref_squeeze %dma_start3A_15 : memref<1x632x128xf32, #tpu.memory_space<hbm>> -> memref<632x128xf32, #tpu.memory_space<hbm>>
      %dma_start3A_17 = arith.constant 0 : i32
      %dma_start3A_18 = tpu.memref_slice %arg8[%mul3A_12, %dma_start3A_17] : memref<10112x128xf32, #tpu.memory_space<vmem_shared>> -> memref<632x128xf32, #tpu.memory_space<vmem_shared>>
      tpu.enqueue_dma source(%dma_start3A_18 : memref<632x128xf32, #tpu.memory_space<vmem_shared>>) target(%dma_start3A_16 : memref<632x128xf32, #tpu.memory_space<hbm>>) target_semaphore(%run_scoped3A : memref<!tpu.dma_semaphore, #tpu.memory_space<semaphore_mem>>)
      %dma_wait3A = arith.constant 0 : i32
      %dma_wait3A_19 = tpu.memref_slice %arg5[%arg0, %mul3A_14, %dma_wait3A] : memref<2x10112x128xf32, #tpu.memory_space<hbm>> -> memref<1x632x128xf32, #tpu.memory_space<hbm>>
      %dma_wait3A_20 = tpu.memref_squeeze %dma_wait3A_19 : memref<1x632x128xf32, #tpu.memory_space<hbm>> -> memref<632x128xf32, #tpu.memory_space<hbm>>
      %dma_wait3A_21 = arith.constant 0 : i32
      %dma_wait3A_22 = tpu.memref_slice %arg8[%mul3A_12, %dma_wait3A_21] : memref<10112x128xf32, #tpu.memory_space<vmem_shared>> -> memref<632x128xf32, #tpu.memory_space<vmem_shared>>
      tpu.wait_dma2 semaphore(%run_scoped3A : memref<!tpu.dma_semaphore, #tpu.memory_space<semaphore_mem>>) src(%dma_wait3A_22 : memref<632x128xf32, #tpu.memory_space<vmem_shared>>) dst(%dma_wait3A_20 : memref<632x128xf32, #tpu.memory_space<hbm>>)
      tpu.yield
    }) : () -> ()
    return
  }
}

#map = affine_map<(d0, d1) -> (0, 0)>
#map1 = affine_map<(d0, d1) -> (0, 0, 0)>
module attributes {stable_mosaic.version = 14 : i64} {
  func.func @scat_kernel(%arg0: i32, %arg1: i32, %arg2: memref<10000x128xf32, #tpu.memory_space<hbm>>, %arg3: memref<32x80x128xi32, #tpu.memory_space<hbm>>, %arg4: memref<32x80x128xi32, #tpu.memory_space<hbm>>, %arg5: memref<10112x128xf32, #tpu.memory_space<hbm>>, %arg6: memref<2x10112x128xf32, #tpu.memory_space<hbm>>, %arg7: memref<80x128xi32, #tpu.memory_space<vmem>>, %arg8: memref<80x128xi32, #tpu.memory_space<vmem>>, %arg9: memref<128x128xf32, #tpu.memory_space<vmem>>, %arg10: memref<128x128xf32, #tpu.memory_space<vmem>>, %arg11: memref<128x128xf32, #tpu.memory_space<vmem>>, %arg12: memref<128x128xf32, #tpu.memory_space<vmem>>, %arg13: memref<!tpu.dma_semaphore, #tpu.memory_space<semaphore_mem>>, %arg14: memref<10112x128xf32, #tpu.memory_space<vmem_shared>>) attributes {dimension_semantics = [#tpu.dimension_semantics<core_parallel>, #tpu.dimension_semantics<subcore_parallel>], iteration_bounds = array<i64: 2, 16>, scalar_prefetch = 0 : i64, scratch_operands = 8 : i64, tpu.core_type = #tpu.core_type<sc_vector_subcore>, window_params = [{transform_indices = #map}, {transform_indices = #map1}, {transform_indices = #map1}, {transform_indices = #map}, {transform_indices = #map1}]} {
    %mul3A = arith.constant 2 : i32
    %mul3A_0 = arith.muli %arg1, %mul3A : i32
    %add3A = arith.addi %mul3A_0, %arg0 : i32
    %mul3A_1 = arith.constant 632 : i32
    %mul3A_2 = arith.muli %arg1, %mul3A_1 : i32
    %mul3A_3 = arith.constant 632 : i32
    %mul3A_4 = arith.muli %arg1, %mul3A_3 : i32
    "tpu.region"() ({
      %run_scoped3A = tpu.sem_alloc : memref<!tpu.dma_semaphore, #tpu.memory_space<semaphore_mem>>
      %dma_start3A = arith.constant 0 : i32
      %dma_start3A_15 = tpu.memref_slice %arg14[%mul3A_4, %dma_start3A] : memref<10112x128xf32, #tpu.memory_space<vmem_shared>> -> memref<632x128xf32, #tpu.memory_space<vmem_shared>>
      %dma_start3A_16 = arith.constant 0 : i32
      %dma_start3A_17 = tpu.memref_slice %arg5[%mul3A_2, %dma_start3A_16] : memref<10112x128xf32, #tpu.memory_space<hbm>> -> memref<632x128xf32, #tpu.memory_space<hbm>>
      tpu.enqueue_dma source(%dma_start3A_17 : memref<632x128xf32, #tpu.memory_space<hbm>>) target(%dma_start3A_15 : memref<632x128xf32, #tpu.memory_space<vmem_shared>>) target_semaphore(%run_scoped3A : memref<!tpu.dma_semaphore, #tpu.memory_space<semaphore_mem>>)
      %dma_wait3A = arith.constant 0 : i32
      %dma_wait3A_18 = tpu.memref_slice %arg14[%mul3A_4, %dma_wait3A] : memref<10112x128xf32, #tpu.memory_space<vmem_shared>> -> memref<632x128xf32, #tpu.memory_space<vmem_shared>>
      %dma_wait3A_19 = arith.constant 0 : i32
      %dma_wait3A_20 = tpu.memref_slice %arg5[%mul3A_2, %dma_wait3A_19] : memref<10112x128xf32, #tpu.memory_space<hbm>> -> memref<632x128xf32, #tpu.memory_space<hbm>>
      tpu.wait_dma2 semaphore(%run_scoped3A : memref<!tpu.dma_semaphore, #tpu.memory_space<semaphore_mem>>) src(%dma_wait3A_20 : memref<632x128xf32, #tpu.memory_space<hbm>>) dst(%dma_wait3A_18 : memref<632x128xf32, #tpu.memory_space<vmem_shared>>)
      tpu.yield
    }) : () -> ()
    "tpu.region"() ({
      %run_scoped3A = tpu.sem_alloc : memref<!tpu.dma_semaphore, #tpu.memory_space<semaphore_mem>>
      %dma_start3A = arith.constant 0 : i32
      %dma_start3A_15 = arith.constant 0 : i32
      %dma_start3A_16 = tpu.memref_slice %arg3[%add3A, %dma_start3A, %dma_start3A_15] : memref<32x80x128xi32, #tpu.memory_space<hbm>> -> memref<1x80x128xi32, #tpu.memory_space<hbm>>
      %dma_start3A_17 = tpu.memref_squeeze %dma_start3A_16 : memref<1x80x128xi32, #tpu.memory_space<hbm>> -> memref<80x128xi32, #tpu.memory_space<hbm>>
      %dma_start3A_18 = arith.constant 0 : i32
      %dma_start3A_19 = arith.constant 0 : i32
      %dma_start3A_20 = tpu.memref_slice %arg3[%add3A, %dma_start3A_18, %dma_start3A_19] : memref<32x80x128xi32, #tpu.memory_space<hbm>> -> memref<1x80x128xi32, #tpu.memory_space<hbm>>
      %dma_start3A_21 = tpu.memref_squeeze %dma_start3A_20 : memref<1x80x128xi32, #tpu.memory_space<hbm>> -> memref<80x128xi32, #tpu.memory_space<hbm>>
      tpu.enqueue_dma source(%dma_start3A_21 : memref<80x128xi32, #tpu.memory_space<hbm>>) target(%arg7 : memref<80x128xi32, #tpu.memory_space<vmem>>) target_semaphore(%run_scoped3A : memref<!tpu.dma_semaphore, #tpu.memory_space<semaphore_mem>>)
      %dma_wait3A = arith.constant 0 : i32
      %dma_wait3A_22 = arith.constant 0 : i32
      %dma_wait3A_23 = tpu.memref_slice %arg3[%add3A, %dma_wait3A, %dma_wait3A_22] : memref<32x80x128xi32, #tpu.memory_space<hbm>> -> memref<1x80x128xi32, #tpu.memory_space<hbm>>
      %dma_wait3A_24 = tpu.memref_squeeze %dma_wait3A_23 : memref<1x80x128xi32, #tpu.memory_space<hbm>> -> memref<80x128xi32, #tpu.memory_space<hbm>>
      %dma_wait3A_25 = arith.constant 0 : i32
      %dma_wait3A_26 = arith.constant 0 : i32
      %dma_wait3A_27 = tpu.memref_slice %arg3[%add3A, %dma_wait3A_25, %dma_wait3A_26] : memref<32x80x128xi32, #tpu.memory_space<hbm>> -> memref<1x80x128xi32, #tpu.memory_space<hbm>>
      %dma_wait3A_28 = tpu.memref_squeeze %dma_wait3A_27 : memref<1x80x128xi32, #tpu.memory_space<hbm>> -> memref<80x128xi32, #tpu.memory_space<hbm>>
      tpu.wait_dma2 semaphore(%run_scoped3A : memref<!tpu.dma_semaphore, #tpu.memory_space<semaphore_mem>>) src(%dma_wait3A_28 : memref<80x128xi32, #tpu.memory_space<hbm>>) dst(%arg7 : memref<80x128xi32, #tpu.memory_space<vmem>>)
      tpu.yield
    }) : () -> ()
    "tpu.region"() ({
      %run_scoped3A = tpu.sem_alloc : memref<!tpu.dma_semaphore, #tpu.memory_space<semaphore_mem>>
      %dma_start3A = arith.constant 0 : i32
      %dma_start3A_15 = arith.constant 0 : i32
      %dma_start3A_16 = tpu.memref_slice %arg4[%add3A, %dma_start3A, %dma_start3A_15] : memref<32x80x128xi32, #tpu.memory_space<hbm>> -> memref<1x80x128xi32, #tpu.memory_space<hbm>>
      %dma_start3A_17 = tpu.memref_squeeze %dma_start3A_16 : memref<1x80x128xi32, #tpu.memory_space<hbm>> -> memref<80x128xi32, #tpu.memory_space<hbm>>
      %dma_start3A_18 = arith.constant 0 : i32
      %dma_start3A_19 = arith.constant 0 : i32
      %dma_start3A_20 = tpu.memref_slice %arg4[%add3A, %dma_start3A_18, %dma_start3A_19] : memref<32x80x128xi32, #tpu.memory_space<hbm>> -> memref<1x80x128xi32, #tpu.memory_space<hbm>>
      %dma_start3A_21 = tpu.memref_squeeze %dma_start3A_20 : memref<1x80x128xi32, #tpu.memory_space<hbm>> -> memref<80x128xi32, #tpu.memory_space<hbm>>
      tpu.enqueue_dma source(%dma_start3A_21 : memref<80x128xi32, #tpu.memory_space<hbm>>) target(%arg8 : memref<80x128xi32, #tpu.memory_space<vmem>>) target_semaphore(%run_scoped3A : memref<!tpu.dma_semaphore, #tpu.memory_space<semaphore_mem>>)
      %dma_wait3A = arith.constant 0 : i32
      %dma_wait3A_22 = arith.constant 0 : i32
      %dma_wait3A_23 = tpu.memref_slice %arg4[%add3A, %dma_wait3A, %dma_wait3A_22] : memref<32x80x128xi32, #tpu.memory_space<hbm>> -> memref<1x80x128xi32, #tpu.memory_space<hbm>>
      %dma_wait3A_24 = tpu.memref_squeeze %dma_wait3A_23 : memref<1x80x128xi32, #tpu.memory_space<hbm>> -> memref<80x128xi32, #tpu.memory_space<hbm>>
      %dma_wait3A_25 = arith.constant 0 : i32
      %dma_wait3A_26 = arith.constant 0 : i32
      %dma_wait3A_27 = tpu.memref_slice %arg4[%add3A, %dma_wait3A_25, %dma_wait3A_26] : memref<32x80x128xi32, #tpu.memory_space<hbm>> -> memref<1x80x128xi32, #tpu.memory_space<hbm>>
      %dma_wait3A_28 = tpu.memref_squeeze %dma_wait3A_27 : memref<1x80x128xi32, #tpu.memory_space<hbm>> -> memref<80x128xi32, #tpu.memory_space<hbm>>
      tpu.wait_dma2 semaphore(%run_scoped3A : memref<!tpu.dma_semaphore, #tpu.memory_space<semaphore_mem>>) src(%dma_wait3A_28 : memref<80x128xi32, #tpu.memory_space<hbm>>) dst(%arg8 : memref<80x128xi32, #tpu.memory_space<vmem>>)
      tpu.yield
    }) : () -> ()
    %barrier3A = arith.constant 0 : index
    tpu.barrier barrier_id(%barrier3A)
    %scan3A = arith.constant 0 : i32
    %scan3A_5 = arith.constant 0 : i32
    %scan3A_6 = arith.constant 80 : i32
    %scan3A_7 = arith.addi %scan3A_5, %scan3A_6 : i32
    %scan3A_8 = arith.constant 1 : i32
    scf.for %scan3A_15 = %scan3A_5 to %scan3A_7 step %scan3A_8  : i32 {
      %dma_start3A = arith.constant 0 : i32
      %dma_start3A_16 = tpu.memref_slice %arg7[%scan3A_15, %dma_start3A] : memref<80x128xi32, #tpu.memory_space<vmem>> -> memref<1x128xi32, #tpu.memory_space<vmem>>
      %dma_start3A_17 = tpu.memref_squeeze %dma_start3A_16 : memref<1x128xi32, #tpu.memory_space<vmem>> -> memref<128xi32, #tpu.memory_space<vmem>>
      %dma_start3A_18 = arith.constant 0 : i32
      %dma_start3A_19 = arith.constant 0 : i32
      %dma_start3A_20 = tpu.memref_slice %arg2[%dma_start3A_18, %dma_start3A_19] : memref<10000x128xf32, #tpu.memory_space<hbm>> -> memref<10000x128xf32, #tpu.memory_space<hbm>>
      tpu.enqueue_indirect_dma source(%dma_start3A_20 : memref<10000x128xf32, #tpu.memory_space<hbm>>) target(%arg9 : memref<128x128xf32, #tpu.memory_space<vmem>>) offsets(%dma_start3A_17 : memref<128xi32, #tpu.memory_space<vmem>>) semaphore(%arg13 : memref<!tpu.dma_semaphore, #tpu.memory_space<semaphore_mem>>)
      %dma_wait3A = arith.constant 0 : i32
      %dma_wait3A_21 = tpu.memref_slice %arg7[%scan3A_15, %dma_wait3A] : memref<80x128xi32, #tpu.memory_space<vmem>> -> memref<1x128xi32, #tpu.memory_space<vmem>>
      %dma_wait3A_22 = tpu.memref_squeeze %dma_wait3A_21 : memref<1x128xi32, #tpu.memory_space<vmem>> -> memref<128xi32, #tpu.memory_space<vmem>>
      %dma_wait3A_23 = arith.constant 0 : i32
      %dma_wait3A_24 = arith.constant 0 : i32
      %dma_wait3A_25 = tpu.memref_slice %arg2[%dma_wait3A_23, %dma_wait3A_24] : memref<10000x128xf32, #tpu.memory_space<hbm>> -> memref<10000x128xf32, #tpu.memory_space<hbm>>
      tpu.wait_indirect_dma semaphore(%arg13 : memref<!tpu.dma_semaphore, #tpu.memory_space<semaphore_mem>>) src(%dma_wait3A_25 : memref<10000x128xf32, #tpu.memory_space<hbm>>) dst(%arg9 : memref<128x128xf32, #tpu.memory_space<vmem>>)
      "tpu.region"() ({
        %run_scoped3A = tpu.sem_alloc : memref<!tpu.dma_semaphore, #tpu.memory_space<semaphore_mem>>
        %dma_start3A_26 = arith.constant 0 : i32
        %dma_start3A_27 = tpu.memref_slice %arg8[%scan3A_15, %dma_start3A_26] : memref<80x128xi32, #tpu.memory_space<vmem>> -> memref<1x128xi32, #tpu.memory_space<vmem>>
        %dma_start3A_28 = tpu.memref_squeeze %dma_start3A_27 : memref<1x128xi32, #tpu.memory_space<vmem>> -> memref<128xi32, #tpu.memory_space<vmem>>
        %dma_start3A_29 = arith.constant 0 : i32
        %dma_start3A_30 = arith.constant 0 : i32
        %dma_start3A_31 = tpu.memref_slice %arg14[%dma_start3A_29, %dma_start3A_30] : memref<10112x128xf32, #tpu.memory_space<vmem_shared>> -> memref<10112x128xf32, #tpu.memory_space<vmem_shared>>
        tpu.enqueue_indirect_dma source(%arg9 : memref<128x128xf32, #tpu.memory_space<vmem>>) target(%dma_start3A_31 : memref<10112x128xf32, #tpu.memory_space<vmem_shared>>) offsets(%dma_start3A_28 : memref<128xi32, #tpu.memory_space<vmem>>) semaphore(%run_scoped3A : memref<!tpu.dma_semaphore, #tpu.memory_space<semaphore_mem>>) {add = true}
        %dma_wait3A_32 = arith.constant 0 : i32
        %dma_wait3A_33 = tpu.memref_slice %arg8[%scan3A_15, %dma_wait3A_32] : memref<80x128xi32, #tpu.memory_space<vmem>> -> memref<1x128xi32, #tpu.memory_space<vmem>>
        %dma_wait3A_34 = tpu.memref_squeeze %dma_wait3A_33 : memref<1x128xi32, #tpu.memory_space<vmem>> -> memref<128xi32, #tpu.memory_space<vmem>>
        %dma_wait3A_35 = arith.constant 0 : i32
        %dma_wait3A_36 = arith.constant 0 : i32
        %dma_wait3A_37 = tpu.memref_slice %arg14[%dma_wait3A_35, %dma_wait3A_36] : memref<10112x128xf32, #tpu.memory_space<vmem_shared>> -> memref<10112x128xf32, #tpu.memory_space<vmem_shared>>
        tpu.wait_indirect_dma semaphore(%run_scoped3A : memref<!tpu.dma_semaphore, #tpu.memory_space<semaphore_mem>>) src(%arg9 : memref<128x128xf32, #tpu.memory_space<vmem>>) dst(%dma_wait3A_37 : memref<10112x128xf32, #tpu.memory_space<vmem_shared>>)
        tpu.yield
      }) : () -> ()
    }
    %scan3A_9 = arith.constant 80 : i32
    %barrier3A_10 = arith.constant 0 : index
    tpu.barrier barrier_id(%barrier3A_10)
    %mul3A_11 = arith.constant 632 : i32
    %mul3A_12 = arith.muli %arg1, %mul3A_11 : i32
    %mul3A_13 = arith.constant 632 : i32
    %mul3A_14 = arith.muli %arg1, %mul3A_13 : i32
    "tpu.region"() ({
      %run_scoped3A = tpu.sem_alloc : memref<!tpu.dma_semaphore, #tpu.memory_space<semaphore_mem>>
      %dma_start3A = arith.constant 0 : i32
      %dma_start3A_15 = tpu.memref_slice %arg6[%arg0, %mul3A_14, %dma_start3A] : memref<2x10112x128xf32, #tpu.memory_space<hbm>> -> memref<1x632x128xf32, #tpu.memory_space<hbm>>
      %dma_start3A_16 = tpu.memref_squeeze %dma_start3A_15 : memref<1x632x128xf32, #tpu.memory_space<hbm>> -> memref<632x128xf32, #tpu.memory_space<hbm>>
      %dma_start3A_17 = arith.constant 0 : i32
      %dma_start3A_18 = tpu.memref_slice %arg14[%mul3A_12, %dma_start3A_17] : memref<10112x128xf32, #tpu.memory_space<vmem_shared>> -> memref<632x128xf32, #tpu.memory_space<vmem_shared>>
      tpu.enqueue_dma source(%dma_start3A_18 : memref<632x128xf32, #tpu.memory_space<vmem_shared>>) target(%dma_start3A_16 : memref<632x128xf32, #tpu.memory_space<hbm>>) target_semaphore(%run_scoped3A : memref<!tpu.dma_semaphore, #tpu.memory_space<semaphore_mem>>)
      %dma_wait3A = arith.constant 0 : i32
      %dma_wait3A_19 = tpu.memref_slice %arg6[%arg0, %mul3A_14, %dma_wait3A] : memref<2x10112x128xf32, #tpu.memory_space<hbm>> -> memref<1x632x128xf32, #tpu.memory_space<hbm>>
      %dma_wait3A_20 = tpu.memref_squeeze %dma_wait3A_19 : memref<1x632x128xf32, #tpu.memory_space<hbm>> -> memref<632x128xf32, #tpu.memory_space<hbm>>
      %dma_wait3A_21 = arith.constant 0 : i32
      %dma_wait3A_22 = tpu.memref_slice %arg14[%mul3A_12, %dma_wait3A_21] : memref<10112x128xf32, #tpu.memory_space<vmem_shared>> -> memref<632x128xf32, #tpu.memory_space<vmem_shared>>
      tpu.wait_dma2 semaphore(%run_scoped3A : memref<!tpu.dma_semaphore, #tpu.memory_space<semaphore_mem>>) src(%dma_wait3A_22 : memref<632x128xf32, #tpu.memory_space<vmem_shared>>) dst(%dma_wait3A_20 : memref<632x128xf32, #tpu.memory_space<hbm>>)
      tpu.yield
    }) : () -> ()
    return
  }
}

module attributes {stable_mosaic.version = 14 : i64} {
  func.func @body(%arg0: i32, %arg1: memref<2x400x128xf32, #tpu.memory_space<vmem>>, %arg2: memref<400x128xf32, #tpu.memory_space<vmem>>, %arg3: memref<128x4xf32, #tpu.memory_space<vmem>>, %arg4: memref<400x128xf32, #tpu.memory_space<vmem>>, %arg5: memref<400x4xf32, #tpu.memory_space<vmem>>) attributes {dimension_semantics = [#tpu.dimension_semantics<arbitrary>], iteration_bounds = array<i64: 25>, scalar_prefetch = 0 : i64, scratch_operands = 0 : i64, tpu.core_type = #tpu.core_type<tc>, window_params = [{transform_indices = @transform_0, window_bounds = array<i64: 2, 400, 128>}, {transform_indices = @transform_1, window_bounds = array<i64: 400, 128>}, {pipeline_mode = #tpu.pipeline_mode<synchronous>, transform_indices = @transform_2, window_bounds = array<i64: 128, 4>}, {transform_indices = @transform_3, window_bounds = array<i64: 400, 128>}, {transform_indices = @transform_4, window_bounds = array<i64: 400, 4>}]} {
    %get3A = arith.constant 0 : index
    %get3A_0 = arith.constant 0 : index
    %get3A_1 = vector.load %arg2[%get3A, %get3A_0] : memref<400x128xf32, #tpu.memory_space<vmem>>, vector<400x128xf32>
    %get3A_2 = arith.constant 0 : index
    %get3A_3 = arith.constant 0 : index
    %get3A_4 = arith.constant 0 : index
    %get3A_5 = vector.load %arg1[%get3A_2, %get3A_3, %get3A_4] : memref<2x400x128xf32, #tpu.memory_space<vmem>>, vector<1x400x1xf32>
    %get3A_6 = vector.shape_cast %get3A_5 : vector<1x400x1xf32> to vector<400xf32>
    %get3A_7 = arith.constant 1 : index
    %get3A_8 = arith.constant 0 : index
    %get3A_9 = arith.constant 0 : index
    %get3A_10 = vector.load %arg1[%get3A_7, %get3A_8, %get3A_9] : memref<2x400x128xf32, #tpu.memory_space<vmem>>, vector<1x400x1xf32>
    %get3A_11 = vector.shape_cast %get3A_10 : vector<1x400x1xf32> to vector<400xf32>
    %add3A = arith.addf %get3A_6, %get3A_11 : vector<400xf32>
    %add3A_12 = arith.constant 1.000000e+00 : f32
    %add3A_13 = vector.broadcast %add3A_12 : f32 to vector<400xf32>
    %add3A_14 = arith.addf %add3A, %add3A_13 : vector<400xf32>
    %rsqrt3A = math.rsqrt %add3A_14 : vector<400xf32>
    %broadcast_in_dim3A = vector.shape_cast %rsqrt3A : vector<400xf32> to vector<400x1xf32>
    %mul3A = vector.broadcast %broadcast_in_dim3A : vector<400x1xf32> to vector<400x128xf32>
    %mul3A_15 = arith.mulf %mul3A, %get3A_1 : vector<400x128xf32>
    %swap3A = arith.constant 0 : index
    %swap3A_16 = arith.constant 0 : index
    %swap3A_17 = vector.load %arg4[%swap3A, %swap3A_16] : memref<400x128xf32, #tpu.memory_space<vmem>>, vector<400x128xf32>
    tpu.vector_store %arg4[%swap3A, %swap3A_16], %mul3A_15 {strides = array<i32>} : memref<400x128xf32, #tpu.memory_space<vmem>>, vector<400x128xf32>,
    %get3A_18 = arith.constant 0 : index
    %get3A_19 = arith.constant 0 : index
    %get3A_20 = vector.load %arg3[%get3A_18, %get3A_19] : memref<128x4xf32, #tpu.memory_space<vmem>>, vector<128x4xf32>
    %dot_general3A = arith.constant dense<0.000000e+00> : vector<400x4xf32>
    %dot_general3A_21 = tpu.matmul %get3A_1, %get3A_20, %dot_general3A {dimension_numbers = #tpu.dot_dimension_numbers<[1], [0], [0], [1], [0, 0, 1, 1], [], []>, transpose_lhs_hint = false} : vector<400x128xf32>, vector<128x4xf32>, vector<400x4xf32> -> vector<400x4xf32>
    %swap3A_22 = arith.constant 0 : index
    %swap3A_23 = arith.constant 0 : index
    %swap3A_24 = vector.load %arg5[%swap3A_22, %swap3A_23] : memref<400x4xf32, #tpu.memory_space<vmem>>, vector<400x4xf32>
    tpu.vector_store %arg5[%swap3A_22, %swap3A_23], %dot_general3A_21 {strides = array<i32>} : memref<400x4xf32, #tpu.memory_space<vmem>>, vector<400x4xf32>,
    return
  }
  func.func @transform_0(%arg0: i32) -> (i32, i32, i32) {
    %c0_i32 = arith.constant 0 : i32
    %c0_i32_0 = arith.constant 0 : i32
    %c0_i32_1 = arith.constant 0 : i32
    return %c0_i32, %arg0, %c0_i32_0 : i32, i32, i32
  }
  func.func @transform_1(%arg0: i32) -> (i32, i32) {
    %c0_i32 = arith.constant 0 : i32
    %c0_i32_0 = arith.constant 0 : i32
    return %arg0, %c0_i32 : i32, i32
  }
  func.func @transform_2(%arg0: i32) -> (i32, i32) {
    %c0_i32 = arith.constant 0 : i32
    %c0_i32_0 = arith.constant 0 : i32
    %c0_i32_1 = arith.constant 0 : i32
    return %c0_i32, %c0_i32_0 : i32, i32
  }
  func.func @transform_3(%arg0: i32) -> (i32, i32) {
    %c0_i32 = arith.constant 0 : i32
    %c0_i32_0 = arith.constant 0 : i32
    return %arg0, %c0_i32 : i32, i32
  }
  func.func @transform_4(%arg0: i32) -> (i32, i32) {
    %c0_i32 = arith.constant 0 : i32
    %c0_i32_0 = arith.constant 0 : i32
    return %arg0, %c0_i32 : i32, i32
  }
}

module attributes {stable_mosaic.version = 14 : i64} {
  func.func @body(%arg0: i32, %arg1: memref<2x400x128xf32, #tpu.memory_space<vmem>>, %arg2: memref<2x400x128xf32, #tpu.memory_space<vmem>>, %arg3: memref<400x128xf32, #tpu.memory_space<vmem>>, %arg4: memref<128x136xf32, #tpu.memory_space<vmem>>, %arg5: memref<1x128xf32, #tpu.memory_space<vmem>>, %arg6: memref<400x128xf32, #tpu.memory_space<vmem>>, %arg7: memref<400x4xf32, #tpu.memory_space<vmem>>) attributes {dimension_semantics = [#tpu.dimension_semantics<arbitrary>], iteration_bounds = array<i64: 25>, scalar_prefetch = 0 : i64, scratch_operands = 0 : i64, tpu.core_type = #tpu.core_type<tc>, window_params = [{transform_indices = @transform_0, window_bounds = array<i64: 2, 400, 128>}, {transform_indices = @transform_1, window_bounds = array<i64: 2, 400, 128>}, {transform_indices = @transform_2, window_bounds = array<i64: 400, 128>}, {pipeline_mode = #tpu.pipeline_mode<synchronous>, transform_indices = @transform_3, window_bounds = array<i64: 128, 136>}, {pipeline_mode = #tpu.pipeline_mode<synchronous>, transform_indices = @transform_4, window_bounds = array<i64: 1, 128>}, {transform_indices = @transform_5, window_bounds = array<i64: 400, 128>}, {transform_indices = @transform_6, window_bounds = array<i64: 400, 4>}]} {
    %get3A = arith.constant 0 : index
    %get3A_0 = arith.constant 0 : index
    %get3A_1 = arith.constant 0 : index
    %get3A_2 = vector.load %arg1[%get3A, %get3A_0, %get3A_1] : memref<2x400x128xf32, #tpu.memory_space<vmem>>, vector<1x400x1xf32>
    %get3A_3 = vector.shape_cast %get3A_2 : vector<1x400x1xf32> to vector<400xf32>
    %get3A_4 = arith.constant 1 : index
    %get3A_5 = arith.constant 0 : index
    %get3A_6 = arith.constant 0 : index
    %get3A_7 = vector.load %arg1[%get3A_4, %get3A_5, %get3A_6] : memref<2x400x128xf32, #tpu.memory_space<vmem>>, vector<1x400x1xf32>
    %get3A_8 = vector.shape_cast %get3A_7 : vector<1x400x1xf32> to vector<400xf32>
    %add3A = arith.addf %get3A_3, %get3A_8 : vector<400xf32>
    %add3A_9 = arith.constant 1.000000e+00 : f32
    %add3A_10 = vector.broadcast %add3A_9 : f32 to vector<400xf32>
    %add3A_11 = arith.addf %add3A, %add3A_10 : vector<400xf32>
    %rsqrt3A = math.rsqrt %add3A_11 : vector<400xf32>
    %broadcast_in_dim3A = vector.shape_cast %rsqrt3A : vector<400xf32> to vector<400x1xf32>
    %get3A_12 = arith.constant 0 : index
    %get3A_13 = arith.constant 0 : index
    %get3A_14 = arith.constant 0 : index
    %get3A_15 = vector.load %arg2[%get3A_12, %get3A_13, %get3A_14] : memref<2x400x128xf32, #tpu.memory_space<vmem>>, vector<1x400x128xf32>
    %get3A_16 = vector.shape_cast %get3A_15 : vector<1x400x128xf32> to vector<400x128xf32>
    %get3A_17 = arith.constant 1 : index
    %get3A_18 = arith.constant 0 : index
    %get3A_19 = arith.constant 0 : index
    %get3A_20 = vector.load %arg2[%get3A_17, %get3A_18, %get3A_19] : memref<2x400x128xf32, #tpu.memory_space<vmem>>, vector<1x400x128xf32>
    %get3A_21 = vector.shape_cast %get3A_20 : vector<1x400x128xf32> to vector<400x128xf32>
    %add3A_22 = arith.addf %get3A_16, %get3A_21 : vector<400x128xf32>
    %get3A_23 = arith.constant 0 : index
    %get3A_24 = arith.constant 0 : index
    %get3A_25 = vector.load %arg3[%get3A_23, %get3A_24] : memref<400x128xf32, #tpu.memory_space<vmem>>, vector<400x128xf32>
    %add3A_26 = arith.addf %add3A_22, %get3A_25 : vector<400x128xf32>
    %mul3A = vector.broadcast %broadcast_in_dim3A : vector<400x1xf32> to vector<400x128xf32>
    %mul3A_27 = arith.mulf %mul3A, %add3A_26 : vector<400x128xf32>
    %get3A_28 = arith.constant 0 : index
    %get3A_29 = arith.constant 0 : index
    %get3A_30 = vector.load %arg4[%get3A_28, %get3A_29] : memref<128x136xf32, #tpu.memory_space<vmem>>, vector<128x136xf32>
    %dot_general3A = arith.constant dense<0.000000e+00> : vector<400x136xf32>
    %dot_general3A_31 = tpu.matmul %mul3A_27, %get3A_30, %dot_general3A {dimension_numbers = #tpu.dot_dimension_numbers<[1], [0], [0], [1], [0, 0, 1, 1], [], []>, transpose_lhs_hint = false} : vector<400x128xf32>, vector<128x136xf32>, vector<400x136xf32> -> vector<400x136xf32>
    %slice3A = vector.extract_strided_slice %dot_general3A_31 {offsets = [0, 0], sizes = [400, 128], strides = [1, 1]} : vector<400x136xf32> to vector<400x128xf32>
    %get3A_32 = arith.constant 0 : index
    %get3A_33 = arith.constant 0 : index
    %get3A_34 = vector.load %arg5[%get3A_32, %get3A_33] : memref<1x128xf32, #tpu.memory_space<vmem>>, vector<1x128xf32>
    %add3A_35 = vector.broadcast %get3A_34 : vector<1x128xf32> to vector<400x128xf32>
    %add3A_36 = arith.addf %slice3A, %add3A_35 : vector<400x128xf32>
    %max3A = arith.constant 0.000000e+00 : f32
    %max3A_37 = vector.broadcast %max3A : f32 to vector<400x128xf32>
    %max3A_38 = arith.maximumf %add3A_36, %max3A_37 : vector<400x128xf32>
    %mul3A_39 = vector.broadcast %broadcast_in_dim3A : vector<400x1xf32> to vector<400x128xf32>
    %mul3A_40 = arith.mulf %mul3A_39, %max3A_38 : vector<400x128xf32>
    %swap3A = arith.constant 0 : index
    %swap3A_41 = arith.constant 0 : index
    %swap3A_42 = vector.load %arg6[%swap3A, %swap3A_41] : memref<400x128xf32, #tpu.memory_space<vmem>>, vector<400x128xf32>
    tpu.vector_store %arg6[%swap3A, %swap3A_41], %mul3A_40 {strides = array<i32>} : memref<400x128xf32, #tpu.memory_space<vmem>>, vector<400x128xf32>,
    %slice3A_43 = vector.extract_strided_slice %dot_general3A_31 {offsets = [0, 128], sizes = [400, 4], strides = [1, 1]} : vector<400x136xf32> to vector<400x4xf32>
    %swap3A_44 = arith.constant 0 : index
    %swap3A_45 = arith.constant 0 : index
    %swap3A_46 = vector.load %arg7[%swap3A_44, %swap3A_45] : memref<400x4xf32, #tpu.memory_space<vmem>>, vector<400x4xf32>
    tpu.vector_store %arg7[%swap3A_44, %swap3A_45], %slice3A_43 {strides = array<i32>} : memref<400x4xf32, #tpu.memory_space<vmem>>, vector<400x4xf32>,
    return
  }
  func.func @transform_0(%arg0: i32) -> (i32, i32, i32) {
    %c0_i32 = arith.constant 0 : i32
    %c0_i32_0 = arith.constant 0 : i32
    %c0_i32_1 = arith.constant 0 : i32
    return %c0_i32, %arg0, %c0_i32_0 : i32, i32, i32
  }
  func.func @transform_1(%arg0: i32) -> (i32, i32, i32) {
    %c0_i32 = arith.constant 0 : i32
    %c0_i32_0 = arith.constant 0 : i32
    %c0_i32_1 = arith.constant 0 : i32
    return %c0_i32, %arg0, %c0_i32_0 : i32, i32, i32
  }
  func.func @transform_2(%arg0: i32) -> (i32, i32) {
    %c0_i32 = arith.constant 0 : i32
    %c0_i32_0 = arith.constant 0 : i32
    return %arg0, %c0_i32 : i32, i32
  }
  func.func @transform_3(%arg0: i32) -> (i32, i32) {
    %c0_i32 = arith.constant 0 : i32
    %c0_i32_0 = arith.constant 0 : i32
    %c0_i32_1 = arith.constant 0 : i32
    return %c0_i32, %c0_i32_0 : i32, i32
  }
  func.func @transform_4(%arg0: i32) -> (i32, i32) {
    %c0_i32 = arith.constant 0 : i32
    %c0_i32_0 = arith.constant 0 : i32
    %c0_i32_1 = arith.constant 0 : i32
    return %c0_i32, %c0_i32_0 : i32, i32
  }
  func.func @transform_5(%arg0: i32) -> (i32, i32) {
    %c0_i32 = arith.constant 0 : i32
    %c0_i32_0 = arith.constant 0 : i32
    return %arg0, %c0_i32 : i32, i32
  }
  func.func @transform_6(%arg0: i32) -> (i32, i32) {
    %c0_i32 = arith.constant 0 : i32
    %c0_i32_0 = arith.constant 0 : i32
    return %arg0, %c0_i32 : i32, i32
  }
}

module attributes {stable_mosaic.version = 14 : i64} {
  func.func @body(%arg0: i32, %arg1: memref<2x400x128xf32, #tpu.memory_space<vmem>>, %arg2: memref<2x400x128xf32, #tpu.memory_space<vmem>>, %arg3: memref<400x128xf32, #tpu.memory_space<vmem>>, %arg4: memref<400x4xf32, #tpu.memory_space<vmem>>, %arg5: memref<400x4xf32, #tpu.memory_space<vmem>>, %arg6: memref<128x132xf32, #tpu.memory_space<vmem>>, %arg7: memref<4x132xf32, #tpu.memory_space<vmem>>, %arg8: memref<1x132xf32, #tpu.memory_space<vmem>>, %arg9: memref<400x136xf32, #tpu.memory_space<vmem>>) attributes {dimension_semantics = [#tpu.dimension_semantics<arbitrary>], iteration_bounds = array<i64: 25>, scalar_prefetch = 0 : i64, scratch_operands = 0 : i64, tpu.core_type = #tpu.core_type<tc>, window_params = [{transform_indices = @transform_0, window_bounds = array<i64: 2, 400, 128>}, {transform_indices = @transform_1, window_bounds = array<i64: 2, 400, 128>}, {transform_indices = @transform_2, window_bounds = array<i64: 400, 128>}, {transform_indices = @transform_3, window_bounds = array<i64: 400, 4>}, {transform_indices = @transform_4, window_bounds = array<i64: 400, 4>}, {pipeline_mode = #tpu.pipeline_mode<synchronous>, transform_indices = @transform_5, window_bounds = array<i64: 128, 132>}, {pipeline_mode = #tpu.pipeline_mode<synchronous>, transform_indices = @transform_6, window_bounds = array<i64: 4, 132>}, {pipeline_mode = #tpu.pipeline_mode<synchronous>, transform_indices = @transform_7, window_bounds = array<i64: 1, 132>}, {transform_indices = @transform_8, window_bounds = array<i64: 400, 136>}]} {
    %get3A = arith.constant 0 : index
    %get3A_0 = arith.constant 0 : index
    %get3A_1 = arith.constant 0 : index
    %get3A_2 = vector.load %arg1[%get3A, %get3A_0, %get3A_1] : memref<2x400x128xf32, #tpu.memory_space<vmem>>, vector<1x400x1xf32>
    %get3A_3 = vector.shape_cast %get3A_2 : vector<1x400x1xf32> to vector<400xf32>
    %get3A_4 = arith.constant 1 : index
    %get3A_5 = arith.constant 0 : index
    %get3A_6 = arith.constant 0 : index
    %get3A_7 = vector.load %arg1[%get3A_4, %get3A_5, %get3A_6] : memref<2x400x128xf32, #tpu.memory_space<vmem>>, vector<1x400x1xf32>
    %get3A_8 = vector.shape_cast %get3A_7 : vector<1x400x1xf32> to vector<400xf32>
    %add3A = arith.addf %get3A_3, %get3A_8 : vector<400xf32>
    %add3A_9 = arith.constant 1.000000e+00 : f32
    %add3A_10 = vector.broadcast %add3A_9 : f32 to vector<400xf32>
    %add3A_11 = arith.addf %add3A, %add3A_10 : vector<400xf32>
    %rsqrt3A = math.rsqrt %add3A_11 : vector<400xf32>
    %broadcast_in_dim3A = vector.shape_cast %rsqrt3A : vector<400xf32> to vector<400x1xf32>
    %get3A_12 = arith.constant 0 : index
    %get3A_13 = arith.constant 0 : index
    %get3A_14 = arith.constant 0 : index
    %get3A_15 = vector.load %arg2[%get3A_12, %get3A_13, %get3A_14] : memref<2x400x128xf32, #tpu.memory_space<vmem>>, vector<1x400x128xf32>
    %get3A_16 = vector.shape_cast %get3A_15 : vector<1x400x128xf32> to vector<400x128xf32>
    %get3A_17 = arith.constant 1 : index
    %get3A_18 = arith.constant 0 : index
    %get3A_19 = arith.constant 0 : index
    %get3A_20 = vector.load %arg2[%get3A_17, %get3A_18, %get3A_19] : memref<2x400x128xf32, #tpu.memory_space<vmem>>, vector<1x400x128xf32>
    %get3A_21 = vector.shape_cast %get3A_20 : vector<1x400x128xf32> to vector<400x128xf32>
    %add3A_22 = arith.addf %get3A_16, %get3A_21 : vector<400x128xf32>
    %get3A_23 = arith.constant 0 : index
    %get3A_24 = arith.constant 0 : index
    %get3A_25 = vector.load %arg3[%get3A_23, %get3A_24] : memref<400x128xf32, #tpu.memory_space<vmem>>, vector<400x128xf32>
    %add3A_26 = arith.addf %add3A_22, %get3A_25 : vector<400x128xf32>
    %mul3A = vector.broadcast %broadcast_in_dim3A : vector<400x1xf32> to vector<400x128xf32>
    %mul3A_27 = arith.mulf %mul3A, %add3A_26 : vector<400x128xf32>
    %get3A_28 = arith.constant 0 : index
    %get3A_29 = arith.constant 0 : index
    %get3A_30 = vector.load %arg6[%get3A_28, %get3A_29] : memref<128x132xf32, #tpu.memory_space<vmem>>, vector<128x132xf32>
    %dot_general3A = arith.constant dense<0.000000e+00> : vector<400x132xf32>
    %dot_general3A_31 = tpu.matmul %mul3A_27, %get3A_30, %dot_general3A {dimension_numbers = #tpu.dot_dimension_numbers<[1], [0], [0], [1], [0, 0, 1, 1], [], []>, transpose_lhs_hint = false} : vector<400x128xf32>, vector<128x132xf32>, vector<400x132xf32> -> vector<400x132xf32>
    %get3A_32 = arith.constant 0 : index
    %get3A_33 = arith.constant 0 : index
    %get3A_34 = vector.load %arg4[%get3A_32, %get3A_33] : memref<400x4xf32, #tpu.memory_space<vmem>>, vector<400x4xf32>
    %get3A_35 = arith.constant 0 : index
    %get3A_36 = arith.constant 0 : index
    %get3A_37 = vector.load %arg7[%get3A_35, %get3A_36] : memref<4x132xf32, #tpu.memory_space<vmem>>, vector<4x132xf32>
    %dot_general3A_38 = arith.constant dense<0.000000e+00> : vector<400x132xf32>
    %dot_general3A_39 = tpu.matmul %get3A_34, %get3A_37, %dot_general3A_38 {dimension_numbers = #tpu.dot_dimension_numbers<[1], [0], [0], [1], [0, 0, 1, 1], [], []>, transpose_lhs_hint = false} : vector<400x4xf32>, vector<4x132xf32>, vector<400x132xf32> -> vector<400x132xf32>
    %add3A_40 = arith.addf %dot_general3A_31, %dot_general3A_39 : vector<400x132xf32>
    %get3A_41 = arith.constant 0 : index
    %get3A_42 = arith.constant 0 : index
    %get3A_43 = vector.load %arg8[%get3A_41, %get3A_42] : memref<1x132xf32, #tpu.memory_space<vmem>>, vector<1x132xf32>
    %add3A_44 = vector.broadcast %get3A_43 : vector<1x132xf32> to vector<400x132xf32>
    %add3A_45 = arith.addf %add3A_40, %add3A_44 : vector<400x132xf32>
    %get3A_46 = arith.constant 0 : index
    %get3A_47 = arith.constant 0 : index
    %get3A_48 = vector.load %arg5[%get3A_46, %get3A_47] : memref<400x4xf32, #tpu.memory_space<vmem>>, vector<400x4xf32>
    %concatenate3A = tpu.concatenate %add3A_45, %get3A_48 in 1 : vector<400x132xf32>, vector<400x4xf32> -> vector<400x136xf32>
    %swap3A = arith.constant 0 : index
    %swap3A_49 = arith.constant 0 : index
    %swap3A_50 = vector.load %arg9[%swap3A, %swap3A_49] : memref<400x136xf32, #tpu.memory_space<vmem>>, vector<400x136xf32>
    tpu.vector_store %arg9[%swap3A, %swap3A_49], %concatenate3A {strides = array<i32>} : memref<400x136xf32, #tpu.memory_space<vmem>>, vector<400x136xf32>,
    return
  }
  func.func @transform_0(%arg0: i32) -> (i32, i32, i32) {
    %c0_i32 = arith.constant 0 : i32
    %c0_i32_0 = arith.constant 0 : i32
    %c0_i32_1 = arith.constant 0 : i32
    return %c0_i32, %arg0, %c0_i32_0 : i32, i32, i32
  }
  func.func @transform_1(%arg0: i32) -> (i32, i32, i32) {
    %c0_i32 = arith.constant 0 : i32
    %c0_i32_0 = arith.constant 0 : i32
    %c0_i32_1 = arith.constant 0 : i32
    return %c0_i32, %arg0, %c0_i32_0 : i32, i32, i32
  }
  func.func @transform_2(%arg0: i32) -> (i32, i32) {
    %c0_i32 = arith.constant 0 : i32
    %c0_i32_0 = arith.constant 0 : i32
    return %arg0, %c0_i32 : i32, i32
  }
  func.func @transform_3(%arg0: i32) -> (i32, i32) {
    %c0_i32 = arith.constant 0 : i32
    %c0_i32_0 = arith.constant 0 : i32
    return %arg0, %c0_i32 : i32, i32
  }
  func.func @transform_4(%arg0: i32) -> (i32, i32) {
    %c0_i32 = arith.constant 0 : i32
    %c0_i32_0 = arith.constant 0 : i32
    return %arg0, %c0_i32 : i32, i32
  }
  func.func @transform_5(%arg0: i32) -> (i32, i32) {
    %c0_i32 = arith.constant 0 : i32
    %c0_i32_0 = arith.constant 0 : i32
    %c0_i32_1 = arith.constant 0 : i32
    return %c0_i32, %c0_i32_0 : i32, i32
  }
  func.func @transform_6(%arg0: i32) -> (i32, i32) {
    %c0_i32 = arith.constant 0 : i32
    %c0_i32_0 = arith.constant 0 : i32
    %c0_i32_1 = arith.constant 0 : i32
    return %c0_i32, %c0_i32_0 : i32, i32
  }
  func.func @transform_7(%arg0: i32) -> (i32, i32) {
    %c0_i32 = arith.constant 0 : i32
    %c0_i32_0 = arith.constant 0 : i32
    %c0_i32_1 = arith.constant 0 : i32
    return %c0_i32, %c0_i32_0 : i32, i32
  }
  func.func @transform_8(%arg0: i32) -> (i32, i32) {
    %c0_i32 = arith.constant 0 : i32
    %c0_i32_0 = arith.constant 0 : i32
    return %arg0, %c0_i32 : i32, i32
  }
}

</mosaic_0001>

<sc_bundles>
// kernel: kernel.11.cloned.1.call-start
scs
__scs_entry_jumppad:
0x0: {  	(pc) =	sbr.rel $0x88, $3  }
0x1: {  	(tag) =	ssettag $0x0;
	lr =	simm.s32 $0x1  }
0x2: {  	[smem:$0x3F9A] =	sst lr;
	_ =	strace $0xD0000000  }
0x3: {  	_ = 	snop  }
0x4: {  	_ = 	snop  }
0x5: {  	_ = 	snop  }
0x6: {  	_ = 	snop  }
0x7: {  	_ = 	snop  }
__scs_overlays_trampoline_lowered:
0x8: {  	[smem:$0x3FA9] =	sst s0  }
0x9: {  	[smem:$0x3FAA] =	sst s1  }
0xa: {  	[smem:$0x3FAB] =	sst s2  }
0xb: {  	[smem:$0x3FAC] =	sst s3  }
0xc: {  	[smem:$0x3FAD] =	sst s4  }
0xd: {  	[smem:$0x3FAE] =	sst s5  }
0xe: {  	[smem:$0x3FAF] =	sst s6  }
0xf: {  	[smem:$0x3FB0] =	sst s7  }
0x10: {  	[smem:$0x3FB1] =	sst s8  }
0x11: {  	[smem:$0x3FB2] =	sst s9;
	s0 =	simm.s32 @!p0 $0x0  }
0x12: {  	s1 =	sld [smem:$0x3F98];
	s0 =	simm.s32 @p0 $0x1  }
0x13: {  	[smem:$0x3FB3] =	sst s0;
	s0 =	simm.s32 @!p1 $0x0  }
0x14: {  	s2 =	sld [smem:$0x3F97];
	s0 =	simm.s32 @p1 $0x1  }
0x15: {  	[smem:$0x3FB4] =	sst s0;
	s0 =	simm.s32 @!p2 $0x0  }
0x16: {  	s3 =	sld [smem:$0x3FDB];
	s0 =	simm.s32 @p2 $0x1  }
0x17: {  	s4 =	simm.s32 $0x1BF5;
	[smem:$0x3FB6] =	sst s0  }
0x18: {  	s0 =	sld [smem:$0x3F99];
	_ =	swait.ge [sflag:s4], $0x0  }
0x19: {  	s7 =	sld [smem:$0x3F9A]  }
0x1a: {  	s8 =	sadd.s32 $0xFFFFE003, lr  }
0x1b: {  	s9 =	sadd.s32 $0xFFFFFEF7, lr;
	s5 =	simm.s32 $0xFFFFFFFF;
	p2 =	slt.u32 s8, $0xFFFFF086  }
0x1c: {  	p1 =	slt.u32 s9, $0xF7A;
	s5 =	simm.s32 @!p2 $0x0  }
0x1d: {  	s5 =	simm.s32 @p1 $0x1;
	p0 =	seq.s32 s7, s2  }
0x1e: {  	s7 =	smul.u32 @!p0 $0xF7A, s2;
	p2 =	seq.s32 @!p0 s5, $0x0  }
0x1f: {  	s9 =	smul.u32 $0xF7A, s1;
	s8 =	simm.s32 @!p0 $0x1BF5;
	p2 =	por !p2, p0  }
0x20: {  	[sflag:s8] =	ssyncset.s32 @!p0 $0xFFFFF086;
	s6 =	sadd.s32 @!p0 s3, s7;
	s7 =	simm.s32 @!p0 $0x108  }
0x21: {  	s3 =	sadd.s32 s3, s9;
	s6 =	sadd.s32 @!p0 $0x88, s6;
	s7 =	simm.s32 @p2 $0x1082  }
0x22: {  	[simem:s7], [sflag:s8] =	dma.local @!p0 [hbm:s6], $0xF7A  }
0x23: {  	s9 =	sor.u32 $0xD0000000, s2;
	s6 =	simm.s32 $0x108;
	_ =	swait.ge @!p0 [sflag:s8], $0x0  }
0x24: {  	s3 =	sadd.s32 $0x88, s3;
	s6 =	simm.s32 @!p1 $0x1082;
	[sflag:s4] =	ssyncset.s32 $0xFFFFF086  }
0x25: {  	[simem:s6], [sflag:s4] =	dma.local [hbm:s3], $0xF7A  }
0x26: {  	[smem:$0x3F9A] =	sst s1;
	(tag) =	ssettag s2;
	_ =	strace s9  }
0x27: {  	s1 =	sld [smem:$0x3FAA]  }
0x28: {  	s2 =	sld [smem:$0x3FAB]  }
0x29: {  	s4 =	sld [smem:$0x3FAD]  }
0x2a: {  	p0 =	seq.s32 s5, $0x0;
	s5 =	sld [smem:$0x3FAE]  }
0x2b: {  	s6 =	sld [smem:$0x3FAF]  }
0x2c: {  	s7 =	sld [smem:$0x3FB0]  }
0x2d: {  	s3 =	simm.s32 $0x108;
	s8 =	sld [smem:$0x3FB1]  }
0x2e: {  	s3 =	simm.s32 @!p0 $0x1082;
	s9 =	sld [smem:$0x3FB2]  }
0x2f: {  	lr =	sadd.s32 s0, s3;
	s0 =	sld [smem:$0x3FA9]  }
0x30: {  	s3 =	sld [smem:$0x3FAC]  }
0x31: {  	[smem:$0x3FB5] =	sst s10  }
0x32: {  	s10 =	sld [smem:$0x3FB3];
	_ =	sdelay $0x3  }
0x33: {  	p0 =	seq.s32 s10, $0x1;
	s10 =	sld [smem:$0x3FB5];
	_ =	sdelay $0x3  }
0x34: {  	[smem:$0x3FB5] =	sst s10  }
0x35: {  	s10 =	sld [smem:$0x3FB4];
	_ =	sdelay $0x3  }
0x36: {  	p1 =	seq.s32 s10, $0x1;
	s10 =	sld [smem:$0x3FB5];
	_ =	sdelay $0x3  }
0x37: {  	[smem:$0x3FB5] =	sst s10  }
0x38: {  	s10 =	sld [smem:$0x3FB6]  }
0x39: {  	_ = 	snop;
	(pc) =	sbr.ind lr, $3  }
0x3a: {  	_ = 	snop  }
0x3b: {  	_ = 	snop  }
0x3c: {  	p2 =	seq.s32 s10, $0x1;
	s10 =	sld [smem:$0x3FB5]  }
0x3d: {  	_ =	shalt  }
0x3e: {  	_ =	shalt  }
0x3f: {  	_ =	shalt  }
0x40: {  	_ =	shalt  }
0x41: {  	_ =	shalt  }
0x42: {  	_ =	shalt  }
0x43: {  	_ =	shalt  }
0x44: {  	_ =	shalt  }
0x45: {  	_ =	shalt  }
0x46: {  	_ =	shalt  }
0x47: {  	_ =	shalt  }
0x48: {  	_ =	shalt  }
0x49: {  	_ =	shalt  }
0x4a: {  	_ =	shalt  }
0x4b: {  	_ =	shalt  }
0x4c: {  	_ =	shalt  }
0x4d: {  	_ =	shalt  }
0x4e: {  	_ =	shalt  }
0x4f: {  	_ =	shalt  }
0x50: {  	_ =	shalt  }
0x51: {  	_ =	shalt  }
0x52: {  	_ =	shalt  }
0x53: {  	_ =	shalt  }
0x54: {  	_ =	shalt  }
0x55: {  	_ =	shalt  }
0x56: {  	_ =	shalt  }
0x57: {  	_ =	shalt  }
0x58: {  	_ =	shalt  }
0x59: {  	_ =	shalt  }
0x5a: {  	_ =	shalt  }
0x5b: {  	_ =	shalt  }
0x5c: {  	_ =	shalt  }
0x5d: {  	_ =	shalt  }
0x5e: {  	_ =	shalt  }
0x5f: {  	_ =	shalt  }
0x60: {  	_ =	shalt  }
0x61: {  	_ =	shalt  }
0x62: {  	_ =	shalt  }
0x63: {  	_ =	shalt  }
0x64: {  	_ =	shalt  }
0x65: {  	_ =	shalt  }
0x66: {  	_ =	shalt  }
0x67: {  	_ =	shalt  }
0x68: {  	_ =	shalt  }
0x69: {  	_ =	shalt  }
0x6a: {  	_ =	shalt  }
0x6b: {  	_ =	shalt  }
0x6c: {  	_ =	shalt  }
0x6d: {  	_ =	shalt  }
0x6e: {  	_ =	shalt  }
0x6f: {  	_ =	shalt  }
0x70: {  	_ =	shalt  }
0x71: {  	_ =	shalt  }
0x72: {  	_ =	shalt  }
0x73: {  	_ =	shalt  }
0x74: {  	_ =	shalt  }
0x75: {  	_ =	shalt  }
0x76: {  	_ =	shalt  }
0x77: {  	_ =	shalt  }
0x78: {  	_ =	shalt  }
0x79: {  	_ =	shalt  }
0x7a: {  	_ =	shalt  }
0x7b: {  	_ =	shalt  }
0x7c: {  	_ =	shalt  }
0x7d: {  	_ =	shalt  }
0x7e: {  	_ =	shalt  }
0x7f: {  	_ =	shalt  }
0x80: {  	_ =	shalt  }
0x81: {  	_ =	shalt  }
0x82: {  	_ =	shalt  }
0x83: {  	_ =	shalt  }
0x84: {  	_ =	shalt  }
0x85: {  	_ =	shalt  }
0x86: {  	_ =	shalt  }
0x87: {  	_ =	shalt  }
.Lfunc_end0:
.L_simem_size_0:
called_computation.1_lowered:
.L_overlay_start_0:
0x88: {  	s2 =	sld [smem:$0x3FD9]  }
0x89: {  	s3 =	sld [smem:$0x3FFE];
	_ =	sdelay $0x1  }
0x8a: {  	s1 =	srdreg.scid  }
0x8b: {  	s0 =	sand.u32 $0x1, s1  }
0x8c: {  	s17 =	sshll.u32 s0, $0xA;
	s2 =	sadd.s32 s3, s2  }
0x8d: {  	s2 =	sadd.s32 s2, s17  }
0x8e: {  	[smem:$0x3FC1] =	sst s2  }
0x8f: {  	_ = 	snop  }
0x90: {  	s2 =	sld [smem:$0x3FD0];
	(tm) =	ssettm $0x1  }
0x91: {  	s18 =	sld [smem:$0x3FFB];
	_ =	sdelay $0x3  }
0x92: {  	_ =	strace s18  }
0x93: {  	s3 =	sld [smem:$0x3FFC];
	_ =	sdelay $0x3  }
0x94: {  	_ =	strace s3  }
0x95: {  	s3 =	sld [smem:$0x3FFD];
	_ =	sdelay $0x3  }
0x96: {  	_ =	strace s3  }
0x97: {  	_ =	strace $0x8FFFFFFF  }
0x98: {  	s19 =	sld [smem:$0x3FDB];
	_ =	sdelay $0x1  }
0x99: {  	s4 =	simm.s32 $_scs_section_size  }
0x9a: {  	s5 =	simm.s32 $_size__tile_overlayer_lowered;
	s6 =	simm.s32 $_tile_overlayer_lowered  }
0x9b: {  	s22 =	simm.s32 $0x1BFF;
	s21 =	sshll.u32 s6, $0x1;
	s3 =	sadd.s32 s4, s19  }
0x9c: {  	s7 =	simm.s32 $0x0;
	s20 =	sshll.u32 s5, $0x1;
	s5 =	sadd.s32 s21, s3  }
0x9d: {  	[timem:s7], [sflag:s22] =	dma.local [hbm:s5], s20  }
0x9e: {  	_ =	swait.ge [sflag:s22], s20  }
0x9f: {  	s4 =	ssub.s32 $0x0, s20;
	[sflag:s22] =	ssyncset.done $0x0  }
0xa0: {  	[sflag:s22] =	ssyncadd.s32 s4;
	_ =	sdelay $0x1  }
0xa1: {  	s23 =	simm.s32 $0x1B8B  }
0xa2: {  	_ =	swait.ge [sflag:s23], $0x1  }
0xa3: {  	[sflag:s23] =	ssyncset.done $0x0  }
0xa4: {  	s25 =	simm.s32 $0x1B8E;
	s24 =	sld [smem:$0x3FFE];
	[sflag:s23] =	ssyncadd.s32 $0xFFFFFFFF  }
0xa5: {  	s26 =	simm.s32 $execute0_lowered;
	[smem:$0x3FD2] =	sst s25  }
0xa6: {  	s5 =	sshll.u32 s26, $0x1;
	_ =	strace $0x80000049;
	[dreg:$0x1] =	wrdreg $0xFFFFFFFF  }
0xa7: {  	s28 =	simm.s32 $_size_execute0_lowered;
	s3 =	sadd.s32 s3, s5;
	[dreg:$0x0] =	wrdreg $0x0  }
0xa8: {  	s5 =	sshll.u32 s28, $0x1;
	[dreg:$0x2] =	wrdreg s3  }
0xa9: {  	[dreg:$0x3] =	wrdreg s5  }
0xaa: {  	[dreg:$0x4] =	wrdreg $0xC0  }
0xab: {  	_ =	task [dreg:s7], $0x5FFFF  }
0xac: {  	[dreg:$0x1] =	wrdreg $0xFFFFFFFF  }
0xad: {  	[dreg:$0x0] =	wrdreg $0x60  }
0xae: {  	[dreg:$0x2] =	wrdreg s24  }
0xaf: {  	[dreg:$0x3] =	wrdreg s2  }
0xb0: {  	[dreg:$0x4] =	wrdreg $0x90000  }
0xb1: {  	[dreg:$0x5] =	wrdreg $0x9  }
0xb2: {  	_ =	task.clear_ibuf [dreg:s7], $0x6FFFF;
	_ =	strace $0x90000049  }
0xb3: {  	s29 =	simm.s32 $0x9;
	_ =	strace $0x8000004B  }
0xb4: {  	_ =	swait.ge [sflag:s29], $0x1  }
0xb5: {  	[sflag:s29] =	ssyncadd.s32 $0xFFFFFFFF  }
0xb6: {  	_ =	strace $0x9000004B  }
0xb7: {  	_ =	sfence  }
0xb8: {  	s30 =	sld [smem:$0x0];
	_ =	sdelay $0x2  }
0xb9: {  	s31 =	sshll.u32 s1, $0xD;
	s1 =	sshrl.u32 s1, $0x2  }
0xba: {  	s3 =	sand.u32 $0x4000, s31;
	s1 =	sadd.s32 s1, s30  }
0xbb: {  	s0 =	sor.u32 s3, s0;
	s1 =	sshll.u32 s1, $0x11  }
0xbc: {  	s0 =	sor.u32 s1, s0  }
0xbd: {  	s0 =	sadd.s32 $0x8F2B, s0  }
0xbe: {  	[sflag:s0] =	ssyncadd.remote.s32 $0x1  }
0xbf: {  	_ =	sfence.sel $0xFFFF  }
0xc0: {  	[dreg:$0x0] =	wrdreg $0xFFFFFFFF;
	(pc) =	sbr.abs _section_cstart, $3  }
0xc1: {  	[dreg:$0x1] =	wrdreg $0xFFFFFFFF  }
0xc2: {  	_ =	task.clear_ibuf [dreg:s7], $0x2FFFF;
	_ =	strace $0x9FFFFFFF  }
0xc3: {  	(tm) =	ssettm $0x7FFFFFFF  }
tec
execute0_lowered:
.L_overlay_start_1:
0x0: {  	(tag) =	ssettag $0x1  }
0x1: {  	s5 =	rddreg [dreg:$0x0]  }
0x2: {  	s6 =	rddreg [dreg:$0x1]  }
0x3: {  	s2 =	rddreg [dreg:$0x2]  }
0x4: {  	s0 =	rddreg [dreg:$0x3];
	s4 =	srdreg.scid  }
0x5: {  	s1 =	stileid.u32;
	s3 =	simm.s32 $0x0;
	s13 =	simm.s32 $0x2800  }
0x6: {  	s14 =	simm.s32 $0x80;
	s15 =	simm.s32 $0x5000;
	s16 =	simm.s32 $0x1  }
0x7: {  	s17 =	simm.s32 $0x0;
	s7 =	sand.u32 $0x1, s4;
	s8 =	smul.u32 $0x13C00, s1  }
0x8: {  	[smem:$0x7FF] =	sst s3;
	s26 =	sshll.u32 s1, $0x1;
	s11 =	smul.u32 $0x4F000, s1  }
0x9: {  	s4 =	sadd.s32 $0x65A00, s5;
	s31 =	sshll.u32 s1, $0x6;
	s9 =	smul.u32 $0x13C000, s7  }
0xa: {  	_ =	strace $0x8000004A;
	s10 =	sor.u32 s7, s26;
	s7 =	ssub.s32 $0x2, s7  }
0xb: {  	s10 =	smul.u32 $0x500, s10;
	s28 =	sshrl.u32 s7, $0x1;
	s29 =	sshrl.u32 s11, $0x2  }
0xc: {  	s30 =	sshrl.u32 s8, $0x3;
	s9 =	sadd.s32 s8, s9;
	s12 =	ssub.s32 s7, s28  }
0xd: {  	s11 =	sadd.s32 s29, s2;
	s9 =	sshrl.u32 s9, $0x3;
	s10 =	sadd.s32 s10, s5  }
0xe: {  	s11 =	sshrl.u32 s11, $0x3;
	s9 =	sadd.s32 s9, s5;
	s5 =	sadd.s32 s6, s30  }
0xf: {  	s6 =	sor.u32 $0x1C02, s31;
	s7 =	sadd.s32 $0x5BA00, s10;
	s8 =	sadd.s32 $0x2200, s10  }
0x10: {  	s10 =	smax.u32 s12, $0x1;
	s12 =	simm.s32 $0x2;
	s9 =	sadd.s32 $0x8CC00, s9  }
.LBB2_1:
0x11: {  	[spmem:s11], [sflag:s6] =	dma.local [hbm:s5], $0x2780  }
0x12: {  	_ =	swait.ge [sflag:s12], $0x2780  }
0x13: {  	[sflag:s12] =	ssyncset.done $0x0  }
0x14: {  	[sflag:s12] =	ssyncadd.s32 $0xFFFFD880  }
0x15: {  	[tilespmem:s3], [sflag:$0x2] =	stream.linear.gather [hbm4b:s7+s3], $0x2800, $0x38;
	[tilespmem:$0x1CC00] =	vst v63  }
0x16: {  	_ =	swait.ge [sflag:s12], $0x2800  }
0x17: {  	[sflag:s12] =	ssyncset.done $0x0  }
0x18: {  	[sflag:s12] =	ssyncadd.s32 $0xFFFFD800  }
0x19: {  	[tilespmem:s13], [sflag:$0x2] =	stream.linear.gather [hbm4b:s8+s3], $0x2800, $0x38;
	[tilespmem:$0x1CC00] =	vst v63  }
0x1a: {  	_ =	swait.ge [sflag:s12], $0x2800  }
0x1b: {  	[sflag:s12] =	ssyncset.done $0x0  }
0x1c: {  	[sflag:s12] =	ssyncadd.s32 $0xFFFFD800  }
0x1d: {  	s18 =	simm.s32 $0x0;
	[bflag:$0x0] =	sbarrier.arrive $0xFFFF  }
0x1e: {  	[tilespmem:s15], [sflag:$0x1] =	stream.indirect.gather [hbm4b:s4+s14], $0x80, s18, s14, $0xb8;
	[tilespmem:$0x1CC00] =	vst v63  }
0x1f: {  	_ =	swait.ge [sflag:s16], $0x4000  }
0x20: {  	[sflag:s16] =	ssyncset.done $0x0  }
0x21: {  	s31 =	simm.s32 $0x2800;
	[sflag:s16] =	ssyncadd.s32 $0xFFFFC000  }
0x22: {  	[spmem:s2] =	stream.indirect.scatter.add.f32 [tilespmem:s15], [sflag:$0x2], $0x80, s31, s14, $0xb8;
	[tilespmem:$0x1CC00] =	vst v63  }
0x23: {  	_ =	swait.ge [sflag:s12], $0x4000  }
0x24: {  	s19 =	simm.s32 $0x400;
	s18 =	simm.s32 $0x200;
	[sflag:s12] =	ssyncset.done $0x0  }
.LBB2_2:
0x25: {  	s20 =	sshra.s32 s18, $0x2  }
0x26: {  	[sflag:s12] =	ssyncadd.s32 $0xFFFFC000;
	s18 =	smov.u32 s19;
	s21 =	sadd.s32 $0x200, s19  }
0x27: {  	[tilespmem:s15], [sflag:$0x1] =	stream.indirect.gather [hbm4b:s4+s14], $0x80, s20, s14, $0xb8;
	[tilespmem:$0x1CC00] =	vst v63  }
0x28: {  	p0 =	sne.s32 s19, $0x9E00;
	_ =	swait.ge [sflag:s16], $0x4000  }
.Ltmp0:
0x29: {  	[sflag:s16] =	ssyncset.done $0x0;
	(pc) =	sbr.rel @p0 .LBB2_2-.Ltmp0, $4  }
0x2a: {  	s19 =	sadd.s32 $0x2800, s20;
	[sflag:s16] =	ssyncadd.s32 $0xFFFFC000  }
0x2b: {  	[spmem:s2] =	stream.indirect.scatter.add.f32 [tilespmem:s15], [sflag:$0x2], $0x80, s19, s14, $0xb8;
	[tilespmem:$0x1CC00] =	vst v63  }
0x2c: {  	_ =	swait.ge [sflag:s12], $0x4000  }
0x2d: {  	s19 =	smov.u32 s21;
	[sflag:s12] =	ssyncset.done $0x0  }
0x2e: {  	s18 =	sshra.s32 s18, $0x2;
	[sflag:s12] =	ssyncadd.s32 $0xFFFFC000  }
0x2f: {  	[tilespmem:s15], [sflag:$0x1] =	stream.indirect.gather [hbm4b:s4+s14], $0x80, s18, s14, $0xb8;
	[tilespmem:$0x1CC00] =	vst v63  }
0x30: {  	_ =	swait.ge [sflag:s16], $0x4000  }
0x31: {  	[sflag:s16] =	ssyncset.done $0x0  }
0x32: {  	s18 =	sadd.s32 $0x2800, s18;
	[sflag:s16] =	ssyncadd.s32 $0xFFFFC000  }
0x33: {  	[spmem:s2] =	stream.indirect.scatter.add.f32 [tilespmem:s15], [sflag:$0x2], $0x80, s18, s14, $0xb8;
	[tilespmem:$0x1CC00] =	vst v63  }
0x34: {  	_ =	swait.ge [sflag:s12], $0x4000  }
0x35: {  	s17 =	sadd.s32 $0x1, s17;
	[sflag:s12] =	ssyncset.done $0x0  }
0x36: {  	p0 =	sne.s32 s17, s10;
	[sflag:s12] =	ssyncadd.s32 $0xFFFFC000  }
.Ltmp1:
0x37: {  	[bflag:$0x0] =	sbarrier.arrive $0xFFFF;
	(pc) =	sbr.rel @p0 .LBB2_1-.Ltmp1, $4  }
0x38: {  	[hbm:s9], [sflag:s6] =	dma.local [spmem:s11], $0x2780  }
0x39: {  	_ =	swait.ge [sflag:s12], $0x2780  }
0x3a: {  	[sflag:s12] =	ssyncset.done $0x0  }
0x3b: {  	[sflag:s12] =	ssyncadd.s32 $0xFFFFD880  }
0x3c: {  	_ =	sfence.sel $0x180000  }
0x3d: {  	[bflag:$0x0] =	sbarrier.arrive $0xFFFF  }
0x3e: {  	p0 =	sne.s32 s1, $0x0;
	_ =	strace $0x9000004A  }
0x3f: {  	s0 =	sadd.s32 @!p0 $0x100000, s0;
	[bflag:$0x2] =	sbarrier.arrive $0xFFFF  }
0x40: {  	[sflag:s0] =	ssyncadd.tile.s32 @!p0 $0x1;
	_ =	shalt  }
.Lfunc_end2:
_tile_overlayer_lowered:
.L_overlay_start_2:
0x41: {  	(tag) =	ssettag $0x2  }
0x42: {  	s0 =	rddreg [dreg:$0x0];
	s2 =	stileid.u32  }
0x43: {  	s1 =	rddreg [dreg:$0x1];
	p0 =	sne.s32 s2, $0x0  }
0x44: {  	s3 =	rddreg [dreg:$0x2];
	[bflag:$0x3] =	sbarrier.arrive $0xFFFF;
	s2 =	simm.s32 @!p0 $0x1C02  }
0x45: {  	[timem:s3], [sflag:s2] =	dma.local @!p0 [hbm:s0], s1  }
0x46: {  	s0 =	simm.s32 @!p0 $0x2  }
0x47: {  	_ =	swait.ge @!p0 [sflag:s0], s1  }
0x48: {  	s1 =	ssub.s32 @!p0 $0x0, s1;
	[sflag:s0] =	ssyncset.done @!p0 $0x0  }
0x49: {  	[sflag:s0] =	ssyncadd.s32 @!p0 s1  }
0x4a: {  	[bflag:$0x3] =	sbarrier.arrive $0xFFFF  }
0x4b: {  	_ =	shalt  }

// kernel: kernel.14.cloned.1.call-start
scs
__scs_entry_jumppad:
0x0: {  	(pc) =	sbr.rel $0x88, $3  }
0x1: {  	(tag) =	ssettag $0x0;
	lr =	simm.s32 $0x1  }
0x2: {  	[smem:$0x3F9A] =	sst lr;
	_ =	strace $0xD0000000  }
0x3: {  	_ = 	snop  }
0x4: {  	_ = 	snop  }
0x5: {  	_ = 	snop  }
0x6: {  	_ = 	snop  }
0x7: {  	_ = 	snop  }
__scs_overlays_trampoline_lowered:
0x8: {  	[smem:$0x3FA9] =	sst s0  }
0x9: {  	[smem:$0x3FAA] =	sst s1  }
0xa: {  	[smem:$0x3FAB] =	sst s2  }
0xb: {  	[smem:$0x3FAC] =	sst s3  }
0xc: {  	[smem:$0x3FAD] =	sst s4  }
0xd: {  	[smem:$0x3FAE] =	sst s5  }
0xe: {  	[smem:$0x3FAF] =	sst s6  }
0xf: {  	[smem:$0x3FB0] =	sst s7  }
0x10: {  	[smem:$0x3FB1] =	sst s8  }
0x11: {  	[smem:$0x3FB2] =	sst s9;
	s0 =	simm.s32 @!p0 $0x0  }
0x12: {  	s1 =	sld [smem:$0x3F98];
	s0 =	simm.s32 @p0 $0x1  }
0x13: {  	[smem:$0x3FB3] =	sst s0;
	s0 =	simm.s32 @!p1 $0x0  }
0x14: {  	s2 =	sld [smem:$0x3F97];
	s0 =	simm.s32 @p1 $0x1  }
0x15: {  	[smem:$0x3FB4] =	sst s0;
	s0 =	simm.s32 @!p2 $0x0  }
0x16: {  	s3 =	sld [smem:$0x3FDB];
	s0 =	simm.s32 @p2 $0x1  }
0x17: {  	s4 =	simm.s32 $0x1BF5;
	[smem:$0x3FB6] =	sst s0  }
0x18: {  	s0 =	sld [smem:$0x3F99];
	_ =	swait.ge [sflag:s4], $0x0  }
0x19: {  	s7 =	sld [smem:$0x3F9A]  }
0x1a: {  	s8 =	sadd.s32 $0xFFFFE003, lr  }
0x1b: {  	s9 =	sadd.s32 $0xFFFFFEF7, lr;
	s5 =	simm.s32 $0xFFFFFFFF;
	p2 =	slt.u32 s8, $0xFFFFF086  }
0x1c: {  	p1 =	slt.u32 s9, $0xF7A;
	s5 =	simm.s32 @!p2 $0x0  }
0x1d: {  	s5 =	simm.s32 @p1 $0x1;
	p0 =	seq.s32 s7, s2  }
0x1e: {  	s7 =	smul.u32 @!p0 $0xF7A, s2;
	p2 =	seq.s32 @!p0 s5, $0x0  }
0x1f: {  	s9 =	smul.u32 $0xF7A, s1;
	s8 =	simm.s32 @!p0 $0x1BF5;
	p2 =	por !p2, p0  }
0x20: {  	[sflag:s8] =	ssyncset.s32 @!p0 $0xFFFFF086;
	s6 =	sadd.s32 @!p0 s3, s7;
	s7 =	simm.s32 @!p0 $0x108  }
0x21: {  	s3 =	sadd.s32 s3, s9;
	s6 =	sadd.s32 @!p0 $0x88, s6;
	s7 =	simm.s32 @p2 $0x1082  }
0x22: {  	[simem:s7], [sflag:s8] =	dma.local @!p0 [hbm:s6], $0xF7A  }
0x23: {  	s9 =	sor.u32 $0xD0000000, s2;
	s6 =	simm.s32 $0x108;
	_ =	swait.ge @!p0 [sflag:s8], $0x0  }
0x24: {  	s3 =	sadd.s32 $0x88, s3;
	s6 =	simm.s32 @!p1 $0x1082;
	[sflag:s4] =	ssyncset.s32 $0xFFFFF086  }
0x25: {  	[simem:s6], [sflag:s4] =	dma.local [hbm:s3], $0xF7A  }
0x26: {  	[smem:$0x3F9A] =	sst s1;
	(tag) =	ssettag s2;
	_ =	strace s9  }
0x27: {  	s1 =	sld [smem:$0x3FAA]  }
0x28: {  	s2 =	sld [smem:$0x3FAB]  }
0x29: {  	s4 =	sld [smem:$0x3FAD]  }
0x2a: {  	p0 =	seq.s32 s5, $0x0;
	s5 =	sld [smem:$0x3FAE]  }
0x2b: {  	s6 =	sld [smem:$0x3FAF]  }
0x2c: {  	s7 =	sld [smem:$0x3FB0]  }
0x2d: {  	s3 =	simm.s32 $0x108;
	s8 =	sld [smem:$0x3FB1]  }
0x2e: {  	s3 =	simm.s32 @!p0 $0x1082;
	s9 =	sld [smem:$0x3FB2]  }
0x2f: {  	lr =	sadd.s32 s0, s3;
	s0 =	sld [smem:$0x3FA9]  }
0x30: {  	s3 =	sld [smem:$0x3FAC]  }
0x31: {  	[smem:$0x3FB5] =	sst s10  }
0x32: {  	s10 =	sld [smem:$0x3FB3];
	_ =	sdelay $0x3  }
0x33: {  	p0 =	seq.s32 s10, $0x1;
	s10 =	sld [smem:$0x3FB5];
	_ =	sdelay $0x3  }
0x34: {  	[smem:$0x3FB5] =	sst s10  }
0x35: {  	s10 =	sld [smem:$0x3FB4];
	_ =	sdelay $0x3  }
0x36: {  	p1 =	seq.s32 s10, $0x1;
	s10 =	sld [smem:$0x3FB5];
	_ =	sdelay $0x3  }
0x37: {  	[smem:$0x3FB5] =	sst s10  }
0x38: {  	s10 =	sld [smem:$0x3FB6]  }
0x39: {  	_ = 	snop;
	(pc) =	sbr.ind lr, $3  }
0x3a: {  	_ = 	snop  }
0x3b: {  	_ = 	snop  }
0x3c: {  	p2 =	seq.s32 s10, $0x1;
	s10 =	sld [smem:$0x3FB5]  }
0x3d: {  	_ =	shalt  }
0x3e: {  	_ =	shalt  }
0x3f: {  	_ =	shalt  }
0x40: {  	_ =	shalt  }
0x41: {  	_ =	shalt  }
0x42: {  	_ =	shalt  }
0x43: {  	_ =	shalt  }
0x44: {  	_ =	shalt  }
0x45: {  	_ =	shalt  }
0x46: {  	_ =	shalt  }
0x47: {  	_ =	shalt  }
0x48: {  	_ =	shalt  }
0x49: {  	_ =	shalt  }
0x4a: {  	_ =	shalt  }
0x4b: {  	_ =	shalt  }
0x4c: {  	_ =	shalt  }
0x4d: {  	_ =	shalt  }
0x4e: {  	_ =	shalt  }
0x4f: {  	_ =	shalt  }
0x50: {  	_ =	shalt  }
0x51: {  	_ =	shalt  }
0x52: {  	_ =	shalt  }
0x53: {  	_ =	shalt  }
0x54: {  	_ =	shalt  }
0x55: {  	_ =	shalt  }
0x56: {  	_ =	shalt  }
0x57: {  	_ =	shalt  }
0x58: {  	_ =	shalt  }
0x59: {  	_ =	shalt  }
0x5a: {  	_ =	shalt  }
0x5b: {  	_ =	shalt  }
0x5c: {  	_ =	shalt  }
0x5d: {  	_ =	shalt  }
0x5e: {  	_ =	shalt  }
0x5f: {  	_ =	shalt  }
0x60: {  	_ =	shalt  }
0x61: {  	_ =	shalt  }
0x62: {  	_ =	shalt  }
0x63: {  	_ =	shalt  }
0x64: {  	_ =	shalt  }
0x65: {  	_ =	shalt  }
0x66: {  	_ =	shalt  }
0x67: {  	_ =	shalt  }
0x68: {  	_ =	shalt  }
0x69: {  	_ =	shalt  }
0x6a: {  	_ =	shalt  }
0x6b: {  	_ =	shalt  }
0x6c: {  	_ =	shalt  }
0x6d: {  	_ =	shalt  }
0x6e: {  	_ =	shalt  }
0x6f: {  	_ =	shalt  }
0x70: {  	_ =	shalt  }
0x71: {  	_ =	shalt  }
0x72: {  	_ =	shalt  }
0x73: {  	_ =	shalt  }
0x74: {  	_ =	shalt  }
0x75: {  	_ =	shalt  }
0x76: {  	_ =	shalt  }
0x77: {  	_ =	shalt  }
0x78: {  	_ =	shalt  }
0x79: {  	_ =	shalt  }
0x7a: {  	_ =	shalt  }
0x7b: {  	_ =	shalt  }
0x7c: {  	_ =	shalt  }
0x7d: {  	_ =	shalt  }
0x7e: {  	_ =	shalt  }
0x7f: {  	_ =	shalt  }
0x80: {  	_ =	shalt  }
0x81: {  	_ =	shalt  }
0x82: {  	_ =	shalt  }
0x83: {  	_ =	shalt  }
0x84: {  	_ =	shalt  }
0x85: {  	_ =	shalt  }
0x86: {  	_ =	shalt  }
0x87: {  	_ =	shalt  }
.Lfunc_end0:
.L_simem_size_0:
called_computation.2_lowered:
.L_overlay_start_0:
0x88: {  	s2 =	sld [smem:$0x3FD9]  }
0x89: {  	s3 =	sld [smem:$0x3FFE];
	_ =	sdelay $0x1  }
0x8a: {  	s1 =	srdreg.scid  }
0x8b: {  	s0 =	sand.u32 $0x1, s1  }
0x8c: {  	s17 =	sshll.u32 s0, $0xA;
	s2 =	sadd.s32 s3, s2  }
0x8d: {  	s2 =	sadd.s32 s2, s17  }
0x8e: {  	[smem:$0x3FC1] =	sst s2  }
0x8f: {  	_ = 	snop  }
0x90: {  	s2 =	sld [smem:$0x3FD0];
	(tm) =	ssettm $0x1  }
0x91: {  	s18 =	sld [smem:$0x3FFB];
	_ =	sdelay $0x3  }
0x92: {  	_ =	strace s18  }
0x93: {  	s3 =	sld [smem:$0x3FFC];
	_ =	sdelay $0x3  }
0x94: {  	_ =	strace s3  }
0x95: {  	s3 =	sld [smem:$0x3FFD];
	_ =	sdelay $0x3  }
0x96: {  	_ =	strace s3  }
0x97: {  	_ =	strace $0x8FFFFFFF  }
0x98: {  	s19 =	sld [smem:$0x3FDB];
	_ =	sdelay $0x1  }
0x99: {  	s4 =	simm.s32 $_scs_section_size  }
0x9a: {  	s5 =	simm.s32 $_size__tile_overlayer_lowered;
	s6 =	simm.s32 $_tile_overlayer_lowered  }
0x9b: {  	s22 =	simm.s32 $0x1BFF;
	s21 =	sshll.u32 s6, $0x1;
	s3 =	sadd.s32 s4, s19  }
0x9c: {  	s7 =	simm.s32 $0x0;
	s20 =	sshll.u32 s5, $0x1;
	s5 =	sadd.s32 s21, s3  }
0x9d: {  	[timem:s7], [sflag:s22] =	dma.local [hbm:s5], s20  }
0x9e: {  	_ =	swait.ge [sflag:s22], s20  }
0x9f: {  	s4 =	ssub.s32 $0x0, s20;
	[sflag:s22] =	ssyncset.done $0x0  }
0xa0: {  	[sflag:s22] =	ssyncadd.s32 s4;
	_ =	sdelay $0x1  }
0xa1: {  	s23 =	simm.s32 $0x1B8B  }
0xa2: {  	_ =	swait.ge [sflag:s23], $0x1  }
0xa3: {  	[sflag:s23] =	ssyncset.done $0x0  }
0xa4: {  	s25 =	simm.s32 $0x1B8E;
	s24 =	sld [smem:$0x3FFE];
	[sflag:s23] =	ssyncadd.s32 $0xFFFFFFFF  }
0xa5: {  	s26 =	simm.s32 $execute0_lowered;
	[smem:$0x3FD2] =	sst s25  }
0xa6: {  	s5 =	sshll.u32 s26, $0x1;
	_ =	strace $0x8000004C;
	[dreg:$0x1] =	wrdreg $0xFFFFFFFF  }
0xa7: {  	s28 =	simm.s32 $_size_execute0_lowered;
	s3 =	sadd.s32 s3, s5;
	[dreg:$0x0] =	wrdreg $0x0  }
0xa8: {  	s5 =	sshll.u32 s28, $0x1;
	[dreg:$0x2] =	wrdreg s3  }
0xa9: {  	[dreg:$0x3] =	wrdreg s5  }
0xaa: {  	[dreg:$0x4] =	wrdreg $0xC0  }
0xab: {  	_ =	task [dreg:s7], $0x5FFFF  }
0xac: {  	[dreg:$0x1] =	wrdreg $0xFFFFFFFF  }
0xad: {  	[dreg:$0x0] =	wrdreg $0x60  }
0xae: {  	[dreg:$0x2] =	wrdreg s24  }
0xaf: {  	[dreg:$0x3] =	wrdreg s2  }
0xb0: {  	[dreg:$0x4] =	wrdreg $0x90000  }
0xb1: {  	[dreg:$0x5] =	wrdreg $0x9  }
0xb2: {  	_ =	task.clear_ibuf [dreg:s7], $0x6FFFF;
	_ =	strace $0x9000004C  }
0xb3: {  	s29 =	simm.s32 $0x9;
	_ =	strace $0x8000004E  }
0xb4: {  	_ =	swait.ge [sflag:s29], $0x1  }
0xb5: {  	[sflag:s29] =	ssyncadd.s32 $0xFFFFFFFF  }
0xb6: {  	_ =	strace $0x9000004E  }
0xb7: {  	_ =	sfence  }
0xb8: {  	s30 =	sld [smem:$0x0];
	_ =	sdelay $0x2  }
0xb9: {  	s31 =	sshll.u32 s1, $0xD;
	s1 =	sshrl.u32 s1, $0x2  }
0xba: {  	s3 =	sand.u32 $0x4000, s31;
	s1 =	sadd.s32 s1, s30  }
0xbb: {  	s0 =	sor.u32 s3, s0;
	s1 =	sshll.u32 s1, $0x11  }
0xbc: {  	s0 =	sor.u32 s1, s0  }
0xbd: {  	s0 =	sadd.s32 $0x8F2B, s0  }
0xbe: {  	[sflag:s0] =	ssyncadd.remote.s32 $0x1  }
0xbf: {  	_ =	sfence.sel $0xFFFF  }
0xc0: {  	[dreg:$0x0] =	wrdreg $0xFFFFFFFF;
	(pc) =	sbr.abs _section_cstart, $3  }
0xc1: {  	[dreg:$0x1] =	wrdreg $0xFFFFFFFF  }
0xc2: {  	_ =	task.clear_ibuf [dreg:s7], $0x2FFFF;
	_ =	strace $0x9FFFFFFF  }
0xc3: {  	(tm) =	ssettm $0x7FFFFFFF  }
tec
execute0_lowered:
.L_overlay_start_1:
0x0: {  	(tag) =	ssettag $0x1  }
0x1: {  	s5 =	rddreg [dreg:$0x0]  }
0x2: {  	s6 =	rddreg [dreg:$0x1]  }
0x3: {  	s2 =	rddreg [dreg:$0x2]  }
0x4: {  	s0 =	rddreg [dreg:$0x3];
	s4 =	srdreg.scid  }
0x5: {  	s1 =	stileid.u32;
	s3 =	simm.s32 $0x0;
	s13 =	simm.s32 $0x2800  }
0x6: {  	s14 =	simm.s32 $0x80;
	s15 =	simm.s32 $0x5000;
	s16 =	simm.s32 $0x1  }
0x7: {  	s17 =	simm.s32 $0x0;
	s7 =	sand.u32 $0x1, s4;
	s8 =	smul.u32 $0x13C00, s1  }
0x8: {  	[smem:$0x7FF] =	sst s3;
	s26 =	sshll.u32 s1, $0x1;
	s11 =	smul.u32 $0x4F000, s1  }
0x9: {  	s4 =	sadd.s32 $0x65A00, s5;
	s31 =	sshll.u32 s1, $0x6;
	s9 =	smul.u32 $0x13C000, s7  }
0xa: {  	_ =	strace $0x8000004D;
	s10 =	sor.u32 s7, s26;
	s7 =	ssub.s32 $0x2, s7  }
0xb: {  	s10 =	smul.u32 $0x500, s10;
	s28 =	sshrl.u32 s7, $0x1;
	s29 =	sshrl.u32 s11, $0x2  }
0xc: {  	s30 =	sshrl.u32 s8, $0x3;
	s9 =	sadd.s32 s8, s9;
	s12 =	ssub.s32 s7, s28  }
0xd: {  	s11 =	sadd.s32 s29, s2;
	s9 =	sshrl.u32 s9, $0x3;
	s10 =	sadd.s32 s10, s5  }
0xe: {  	s11 =	sshrl.u32 s11, $0x3;
	s9 =	sadd.s32 s9, s5;
	s5 =	sadd.s32 s6, s30  }
0xf: {  	s6 =	sor.u32 $0x1C02, s31;
	s7 =	sadd.s32 $0x5BA00, s10;
	s8 =	sadd.s32 $0x2200, s10  }
0x10: {  	s10 =	smax.u32 s12, $0x1;
	s12 =	simm.s32 $0x2;
	s9 =	sadd.s32 $0x8CC00, s9  }
.LBB2_1:
0x11: {  	[spmem:s11], [sflag:s6] =	dma.local [hbm:s5], $0x2780  }
0x12: {  	_ =	swait.ge [sflag:s12], $0x2780  }
0x13: {  	[sflag:s12] =	ssyncset.done $0x0  }
0x14: {  	[sflag:s12] =	ssyncadd.s32 $0xFFFFD880  }
0x15: {  	[tilespmem:s3], [sflag:$0x2] =	stream.linear.gather [hbm4b:s7+s3], $0x2800, $0x38;
	[tilespmem:$0x1CC00] =	vst v63  }
0x16: {  	_ =	swait.ge [sflag:s12], $0x2800  }
0x17: {  	[sflag:s12] =	ssyncset.done $0x0  }
0x18: {  	[sflag:s12] =	ssyncadd.s32 $0xFFFFD800  }
0x19: {  	[tilespmem:s13], [sflag:$0x2] =	stream.linear.gather [hbm4b:s8+s3], $0x2800, $0x38;
	[tilespmem:$0x1CC00] =	vst v63  }
0x1a: {  	_ =	swait.ge [sflag:s12], $0x2800  }
0x1b: {  	[sflag:s12] =	ssyncset.done $0x0  }
0x1c: {  	[sflag:s12] =	ssyncadd.s32 $0xFFFFD800  }
0x1d: {  	s18 =	simm.s32 $0x0;
	[bflag:$0x0] =	sbarrier.arrive $0xFFFF  }
0x1e: {  	[tilespmem:s15], [sflag:$0x1] =	stream.indirect.gather [hbm4b:s4+s14], $0x80, s18, s14, $0xb8;
	[tilespmem:$0x1CC00] =	vst v63  }
0x1f: {  	_ =	swait.ge [sflag:s16], $0x4000  }
0x20: {  	[sflag:s16] =	ssyncset.done $0x0  }
0x21: {  	s31 =	simm.s32 $0x2800;
	[sflag:s16] =	ssyncadd.s32 $0xFFFFC000  }
0x22: {  	[spmem:s2] =	stream.indirect.scatter.add.f32 [tilespmem:s15], [sflag:$0x2], $0x80, s31, s14, $0xb8;
	[tilespmem:$0x1CC00] =	vst v63  }
0x23: {  	_ =	swait.ge [sflag:s12], $0x4000  }
0x24: {  	s19 =	simm.s32 $0x400;
	s18 =	simm.s32 $0x200;
	[sflag:s12] =	ssyncset.done $0x0  }
.LBB2_2:
0x25: {  	s20 =	sshra.s32 s18, $0x2  }
0x26: {  	[sflag:s12] =	ssyncadd.s32 $0xFFFFC000;
	s18 =	smov.u32 s19;
	s21 =	sadd.s32 $0x200, s19  }
0x27: {  	[tilespmem:s15], [sflag:$0x1] =	stream.indirect.gather [hbm4b:s4+s14], $0x80, s20, s14, $0xb8;
	[tilespmem:$0x1CC00] =	vst v63  }
0x28: {  	p0 =	sne.s32 s19, $0x9E00;
	_ =	swait.ge [sflag:s16], $0x4000  }
.Ltmp0:
0x29: {  	[sflag:s16] =	ssyncset.done $0x0;
	(pc) =	sbr.rel @p0 .LBB2_2-.Ltmp0, $4  }
0x2a: {  	s19 =	sadd.s32 $0x2800, s20;
	[sflag:s16] =	ssyncadd.s32 $0xFFFFC000  }
0x2b: {  	[spmem:s2] =	stream.indirect.scatter.add.f32 [tilespmem:s15], [sflag:$0x2], $0x80, s19, s14, $0xb8;
	[tilespmem:$0x1CC00] =	vst v63  }
0x2c: {  	_ =	swait.ge [sflag:s12], $0x4000  }
0x2d: {  	s19 =	smov.u32 s21;
	[sflag:s12] =	ssyncset.done $0x0  }
0x2e: {  	s18 =	sshra.s32 s18, $0x2;
	[sflag:s12] =	ssyncadd.s32 $0xFFFFC000  }
0x2f: {  	[tilespmem:s15], [sflag:$0x1] =	stream.indirect.gather [hbm4b:s4+s14], $0x80, s18, s14, $0xb8;
	[tilespmem:$0x1CC00] =	vst v63  }
0x30: {  	_ =	swait.ge [sflag:s16], $0x4000  }
0x31: {  	[sflag:s16] =	ssyncset.done $0x0  }
0x32: {  	s18 =	sadd.s32 $0x2800, s18;
	[sflag:s16] =	ssyncadd.s32 $0xFFFFC000  }
0x33: {  	[spmem:s2] =	stream.indirect.scatter.add.f32 [tilespmem:s15], [sflag:$0x2], $0x80, s18, s14, $0xb8;
	[tilespmem:$0x1CC00] =	vst v63  }
0x34: {  	_ =	swait.ge [sflag:s12], $0x4000  }
0x35: {  	s17 =	sadd.s32 $0x1, s17;
	[sflag:s12] =	ssyncset.done $0x0  }
0x36: {  	p0 =	sne.s32 s17, s10;
	[sflag:s12] =	ssyncadd.s32 $0xFFFFC000  }
.Ltmp1:
0x37: {  	[bflag:$0x0] =	sbarrier.arrive $0xFFFF;
	(pc) =	sbr.rel @p0 .LBB2_1-.Ltmp1, $4  }
0x38: {  	[hbm:s9], [sflag:s6] =	dma.local [spmem:s11], $0x2780  }
0x39: {  	_ =	swait.ge [sflag:s12], $0x2780  }
0x3a: {  	[sflag:s12] =	ssyncset.done $0x0  }
0x3b: {  	[sflag:s12] =	ssyncadd.s32 $0xFFFFD880  }
0x3c: {  	_ =	sfence.sel $0x180000  }
0x3d: {  	[bflag:$0x0] =	sbarrier.arrive $0xFFFF  }
0x3e: {  	p0 =	sne.s32 s1, $0x0;
	_ =	strace $0x9000004D  }
0x3f: {  	s0 =	sadd.s32 @!p0 $0x100000, s0;
	[bflag:$0x2] =	sbarrier.arrive $0xFFFF  }
0x40: {  	[sflag:s0] =	ssyncadd.tile.s32 @!p0 $0x1;
	_ =	shalt  }
.Lfunc_end2:
_tile_overlayer_lowered:
.L_overlay_start_2:
0x41: {  	(tag) =	ssettag $0x2  }
0x42: {  	s0 =	rddreg [dreg:$0x0];
	s2 =	stileid.u32  }
0x43: {  	s1 =	rddreg [dreg:$0x1];
	p0 =	sne.s32 s2, $0x0  }
0x44: {  	s3 =	rddreg [dreg:$0x2];
	[bflag:$0x3] =	sbarrier.arrive $0xFFFF;
	s2 =	simm.s32 @!p0 $0x1C02  }
0x45: {  	[timem:s3], [sflag:s2] =	dma.local @!p0 [hbm:s0], s1  }
0x46: {  	s0 =	simm.s32 @!p0 $0x2  }
0x47: {  	_ =	swait.ge @!p0 [sflag:s0], s1  }
0x48: {  	s1 =	ssub.s32 @!p0 $0x0, s1;
	[sflag:s0] =	ssyncset.done @!p0 $0x0  }
0x49: {  	[sflag:s0] =	ssyncadd.s32 @!p0 s1  }
0x4a: {  	[bflag:$0x3] =	sbarrier.arrive $0xFFFF  }
0x4b: {  	_ =	shalt  }

// kernel: kernel.8.cloned.1.call-start
scs
__scs_entry_jumppad:
0x0: {  	(pc) =	sbr.rel $0x88, $3  }
0x1: {  	(tag) =	ssettag $0x0;
	lr =	simm.s32 $0x1  }
0x2: {  	[smem:$0x3F9A] =	sst lr;
	_ =	strace $0xD0000000  }
0x3: {  	_ = 	snop  }
0x4: {  	_ = 	snop  }
0x5: {  	_ = 	snop  }
0x6: {  	_ = 	snop  }
0x7: {  	_ = 	snop  }
__scs_overlays_trampoline_lowered:
0x8: {  	[smem:$0x3FA9] =	sst s0  }
0x9: {  	[smem:$0x3FAA] =	sst s1  }
0xa: {  	[smem:$0x3FAB] =	sst s2  }
0xb: {  	[smem:$0x3FAC] =	sst s3  }
0xc: {  	[smem:$0x3FAD] =	sst s4  }
0xd: {  	[smem:$0x3FAE] =	sst s5  }
0xe: {  	[smem:$0x3FAF] =	sst s6  }
0xf: {  	[smem:$0x3FB0] =	sst s7  }
0x10: {  	[smem:$0x3FB1] =	sst s8  }
0x11: {  	[smem:$0x3FB2] =	sst s9;
	s0 =	simm.s32 @!p0 $0x0  }
0x12: {  	s1 =	sld [smem:$0x3F98];
	s0 =	simm.s32 @p0 $0x1  }
0x13: {  	[smem:$0x3FB3] =	sst s0;
	s0 =	simm.s32 @!p1 $0x0  }
0x14: {  	s2 =	sld [smem:$0x3F97];
	s0 =	simm.s32 @p1 $0x1  }
0x15: {  	[smem:$0x3FB4] =	sst s0;
	s0 =	simm.s32 @!p2 $0x0  }
0x16: {  	s3 =	sld [smem:$0x3FDB];
	s0 =	simm.s32 @p2 $0x1  }
0x17: {  	s4 =	simm.s32 $0x1BF5;
	[smem:$0x3FB6] =	sst s0  }
0x18: {  	s0 =	sld [smem:$0x3F99];
	_ =	swait.ge [sflag:s4], $0x0  }
0x19: {  	s7 =	sld [smem:$0x3F9A]  }
0x1a: {  	s8 =	sadd.s32 $0xFFFFE003, lr  }
0x1b: {  	s9 =	sadd.s32 $0xFFFFFEF7, lr;
	s5 =	simm.s32 $0xFFFFFFFF;
	p2 =	slt.u32 s8, $0xFFFFF086  }
0x1c: {  	p1 =	slt.u32 s9, $0xF7A;
	s5 =	simm.s32 @!p2 $0x0  }
0x1d: {  	s5 =	simm.s32 @p1 $0x1;
	p0 =	seq.s32 s7, s2  }
0x1e: {  	s7 =	smul.u32 @!p0 $0xF7A, s2;
	p2 =	seq.s32 @!p0 s5, $0x0  }
0x1f: {  	s9 =	smul.u32 $0xF7A, s1;
	s8 =	simm.s32 @!p0 $0x1BF5;
	p2 =	por !p2, p0  }
0x20: {  	[sflag:s8] =	ssyncset.s32 @!p0 $0xFFFFF086;
	s6 =	sadd.s32 @!p0 s3, s7;
	s7 =	simm.s32 @!p0 $0x108  }
0x21: {  	s3 =	sadd.s32 s3, s9;
	s6 =	sadd.s32 @!p0 $0x88, s6;
	s7 =	simm.s32 @p2 $0x1082  }
0x22: {  	[simem:s7], [sflag:s8] =	dma.local @!p0 [hbm:s6], $0xF7A  }
0x23: {  	s9 =	sor.u32 $0xD0000000, s2;
	s6 =	simm.s32 $0x108;
	_ =	swait.ge @!p0 [sflag:s8], $0x0  }
0x24: {  	s3 =	sadd.s32 $0x88, s3;
	s6 =	simm.s32 @!p1 $0x1082;
	[sflag:s4] =	ssyncset.s32 $0xFFFFF086  }
0x25: {  	[simem:s6], [sflag:s4] =	dma.local [hbm:s3], $0xF7A  }
0x26: {  	[smem:$0x3F9A] =	sst s1;
	(tag) =	ssettag s2;
	_ =	strace s9  }
0x27: {  	s1 =	sld [smem:$0x3FAA]  }
0x28: {  	s2 =	sld [smem:$0x3FAB]  }
0x29: {  	s4 =	sld [smem:$0x3FAD]  }
0x2a: {  	p0 =	seq.s32 s5, $0x0;
	s5 =	sld [smem:$0x3FAE]  }
0x2b: {  	s6 =	sld [smem:$0x3FAF]  }
0x2c: {  	s7 =	sld [smem:$0x3FB0]  }
0x2d: {  	s3 =	simm.s32 $0x108;
	s8 =	sld [smem:$0x3FB1]  }
0x2e: {  	s3 =	simm.s32 @!p0 $0x1082;
	s9 =	sld [smem:$0x3FB2]  }
0x2f: {  	lr =	sadd.s32 s0, s3;
	s0 =	sld [smem:$0x3FA9]  }
0x30: {  	s3 =	sld [smem:$0x3FAC]  }
0x31: {  	[smem:$0x3FB5] =	sst s10  }
0x32: {  	s10 =	sld [smem:$0x3FB3];
	_ =	sdelay $0x3  }
0x33: {  	p0 =	seq.s32 s10, $0x1;
	s10 =	sld [smem:$0x3FB5];
	_ =	sdelay $0x3  }
0x34: {  	[smem:$0x3FB5] =	sst s10  }
0x35: {  	s10 =	sld [smem:$0x3FB4];
	_ =	sdelay $0x3  }
0x36: {  	p1 =	seq.s32 s10, $0x1;
	s10 =	sld [smem:$0x3FB5];
	_ =	sdelay $0x3  }
0x37: {  	[smem:$0x3FB5] =	sst s10  }
0x38: {  	s10 =	sld [smem:$0x3FB6]  }
0x39: {  	_ = 	snop;
	(pc) =	sbr.ind lr, $3  }
0x3a: {  	_ = 	snop  }
0x3b: {  	_ = 	snop  }
0x3c: {  	p2 =	seq.s32 s10, $0x1;
	s10 =	sld [smem:$0x3FB5]  }
0x3d: {  	_ =	shalt  }
0x3e: {  	_ =	shalt  }
0x3f: {  	_ =	shalt  }
0x40: {  	_ =	shalt  }
0x41: {  	_ =	shalt  }
0x42: {  	_ =	shalt  }
0x43: {  	_ =	shalt  }
0x44: {  	_ =	shalt  }
0x45: {  	_ =	shalt  }
0x46: {  	_ =	shalt  }
0x47: {  	_ =	shalt  }
0x48: {  	_ =	shalt  }
0x49: {  	_ =	shalt  }
0x4a: {  	_ =	shalt  }
0x4b: {  	_ =	shalt  }
0x4c: {  	_ =	shalt  }
0x4d: {  	_ =	shalt  }
0x4e: {  	_ =	shalt  }
0x4f: {  	_ =	shalt  }
0x50: {  	_ =	shalt  }
0x51: {  	_ =	shalt  }
0x52: {  	_ =	shalt  }
0x53: {  	_ =	shalt  }
0x54: {  	_ =	shalt  }
0x55: {  	_ =	shalt  }
0x56: {  	_ =	shalt  }
0x57: {  	_ =	shalt  }
0x58: {  	_ =	shalt  }
0x59: {  	_ =	shalt  }
0x5a: {  	_ =	shalt  }
0x5b: {  	_ =	shalt  }
0x5c: {  	_ =	shalt  }
0x5d: {  	_ =	shalt  }
0x5e: {  	_ =	shalt  }
0x5f: {  	_ =	shalt  }
0x60: {  	_ =	shalt  }
0x61: {  	_ =	shalt  }
0x62: {  	_ =	shalt  }
0x63: {  	_ =	shalt  }
0x64: {  	_ =	shalt  }
0x65: {  	_ =	shalt  }
0x66: {  	_ =	shalt  }
0x67: {  	_ =	shalt  }
0x68: {  	_ =	shalt  }
0x69: {  	_ =	shalt  }
0x6a: {  	_ =	shalt  }
0x6b: {  	_ =	shalt  }
0x6c: {  	_ =	shalt  }
0x6d: {  	_ =	shalt  }
0x6e: {  	_ =	shalt  }
0x6f: {  	_ =	shalt  }
0x70: {  	_ =	shalt  }
0x71: {  	_ =	shalt  }
0x72: {  	_ =	shalt  }
0x73: {  	_ =	shalt  }
0x74: {  	_ =	shalt  }
0x75: {  	_ =	shalt  }
0x76: {  	_ =	shalt  }
0x77: {  	_ =	shalt  }
0x78: {  	_ =	shalt  }
0x79: {  	_ =	shalt  }
0x7a: {  	_ =	shalt  }
0x7b: {  	_ =	shalt  }
0x7c: {  	_ =	shalt  }
0x7d: {  	_ =	shalt  }
0x7e: {  	_ =	shalt  }
0x7f: {  	_ =	shalt  }
0x80: {  	_ =	shalt  }
0x81: {  	_ =	shalt  }
0x82: {  	_ =	shalt  }
0x83: {  	_ =	shalt  }
0x84: {  	_ =	shalt  }
0x85: {  	_ =	shalt  }
0x86: {  	_ =	shalt  }
0x87: {  	_ =	shalt  }
.Lfunc_end0:
.L_simem_size_0:
called_computation_lowered:
.L_overlay_start_0:
0x88: {  	s2 =	sld [smem:$0x3FD9]  }
0x89: {  	s3 =	sld [smem:$0x3FFE];
	_ =	sdelay $0x1  }
0x8a: {  	s1 =	srdreg.scid  }
0x8b: {  	s0 =	sand.u32 $0x1, s1  }
0x8c: {  	s17 =	sshll.u32 s0, $0xA;
	s2 =	sadd.s32 s3, s2  }
0x8d: {  	s2 =	sadd.s32 s2, s17  }
0x8e: {  	[smem:$0x3FC1] =	sst s2  }
0x8f: {  	_ = 	snop  }
0x90: {  	s2 =	sld [smem:$0x3FD0];
	(tm) =	ssettm $0x1  }
0x91: {  	s18 =	sld [smem:$0x3FFB];
	_ =	sdelay $0x3  }
0x92: {  	_ =	strace s18  }
0x93: {  	s3 =	sld [smem:$0x3FFC];
	_ =	sdelay $0x3  }
0x94: {  	_ =	strace s3  }
0x95: {  	s3 =	sld [smem:$0x3FFD];
	_ =	sdelay $0x3  }
0x96: {  	_ =	strace s3  }
0x97: {  	_ =	strace $0x8FFFFFFF  }
0x98: {  	s19 =	sld [smem:$0x3FDB];
	_ =	sdelay $0x1  }
0x99: {  	s4 =	simm.s32 $_scs_section_size  }
0x9a: {  	s5 =	simm.s32 $_size__tile_overlayer_lowered;
	s6 =	simm.s32 $_tile_overlayer_lowered  }
0x9b: {  	s22 =	simm.s32 $0x1BFF;
	s21 =	sshll.u32 s6, $0x1;
	s3 =	sadd.s32 s4, s19  }
0x9c: {  	s7 =	simm.s32 $0x0;
	s20 =	sshll.u32 s5, $0x1;
	s5 =	sadd.s32 s21, s3  }
0x9d: {  	[timem:s7], [sflag:s22] =	dma.local [hbm:s5], s20  }
0x9e: {  	_ =	swait.ge [sflag:s22], s20  }
0x9f: {  	s4 =	ssub.s32 $0x0, s20;
	[sflag:s22] =	ssyncset.done $0x0  }
0xa0: {  	[sflag:s22] =	ssyncadd.s32 s4;
	_ =	sdelay $0x1  }
0xa1: {  	s23 =	simm.s32 $0x1B8B  }
0xa2: {  	_ =	swait.ge [sflag:s23], $0x1  }
0xa3: {  	[sflag:s23] =	ssyncset.done $0x0  }
0xa4: {  	s25 =	simm.s32 $0x1B8E;
	s24 =	sld [smem:$0x3FFE];
	[sflag:s23] =	ssyncadd.s32 $0xFFFFFFFF  }
0xa5: {  	s26 =	simm.s32 $execute0_lowered;
	[smem:$0x3FD2] =	sst s25  }
0xa6: {  	s5 =	sshll.u32 s26, $0x1;
	_ =	strace $0x80000046;
	[dreg:$0x1] =	wrdreg $0xFFFFFFFF  }
0xa7: {  	s28 =	simm.s32 $_size_execute0_lowered;
	s3 =	sadd.s32 s3, s5;
	[dreg:$0x0] =	wrdreg $0x0  }
0xa8: {  	s5 =	sshll.u32 s28, $0x1;
	[dreg:$0x2] =	wrdreg s3  }
0xa9: {  	[dreg:$0x3] =	wrdreg s5  }
0xaa: {  	[dreg:$0x4] =	wrdreg $0xC0  }
0xab: {  	_ =	task [dreg:s7], $0x5FFFF  }
0xac: {  	[dreg:$0x1] =	wrdreg $0xFFFFFFFF  }
0xad: {  	[dreg:$0x0] =	wrdreg $0x60  }
0xae: {  	[dreg:$0x2] =	wrdreg s24  }
0xaf: {  	[dreg:$0x3] =	wrdreg s2  }
0xb0: {  	[dreg:$0x4] =	wrdreg $0x68000  }
0xb1: {  	[dreg:$0x5] =	wrdreg $0x9  }
0xb2: {  	_ =	task.clear_ibuf [dreg:s7], $0x6FFFF;
	_ =	strace $0x90000046  }
0xb3: {  	s29 =	simm.s32 $0x9;
	_ =	strace $0x80000048  }
0xb4: {  	_ =	swait.ge [sflag:s29], $0x1  }
0xb5: {  	[sflag:s29] =	ssyncadd.s32 $0xFFFFFFFF  }
0xb6: {  	_ =	strace $0x90000048  }
0xb7: {  	_ =	sfence  }
0xb8: {  	s30 =	sld [smem:$0x0];
	_ =	sdelay $0x2  }
0xb9: {  	s31 =	sshll.u32 s1, $0xD;
	s1 =	sshrl.u32 s1, $0x2  }
0xba: {  	s3 =	sand.u32 $0x4000, s31;
	s1 =	sadd.s32 s1, s30  }
0xbb: {  	s0 =	sor.u32 s3, s0;
	s1 =	sshll.u32 s1, $0x11  }
0xbc: {  	s0 =	sor.u32 s1, s0  }
0xbd: {  	s0 =	sadd.s32 $0x8F2B, s0  }
0xbe: {  	[sflag:s0] =	ssyncadd.remote.s32 $0x1  }
0xbf: {  	_ =	sfence.sel $0xFFFF  }
0xc0: {  	[dreg:$0x0] =	wrdreg $0xFFFFFFFF;
	(pc) =	sbr.abs _section_cstart, $3  }
0xc1: {  	[dreg:$0x1] =	wrdreg $0xFFFFFFFF  }
0xc2: {  	_ =	task.clear_ibuf [dreg:s7], $0x2FFFF;
	_ =	strace $0x9FFFFFFF  }
0xc3: {  	(tm) =	ssettm $0x7FFFFFFF  }
tec
execute0_lowered:
.L_overlay_start_1:
0x0: {  	(tag) =	ssettag $0x1  }
0x1: {  	s5 =	rddreg [dreg:$0x0]  }
0x2: {  	s1 =	srdreg.scid;
	s6 =	rddreg [dreg:$0x1]  }
0x3: {  	s0 =	stileid.u32;
	s2 =	rddreg [dreg:$0x2]  }
0x4: {  	s3 =	simm.s32 $0x0;
	s12 =	simm.s32 $0x2800;
	s13 =	simm.s32 $0x80  }
0x5: {  	s14 =	simm.s32 $0x0;
	s4 =	sand.u32 $0x1, s1;
	s8 =	smul.u32 $0x13C00, s0  }
0x6: {  	s28 =	sshll.u32 s0, $0x1;
	[smem:$0x7FF] =	sst s3;
	s11 =	smul.u32 $0x4F000, s0  }
0x7: {  	s31 =	sshll.u32 s0, $0x6;
	s1 =	sor.u32 s4, s28;
	s9 =	smul.u32 $0x13C000, s4  }
0x8: {  	s10 =	ssub.s32 $0x2, s4;
	s4 =	sadd.s32 $0xC200, s5;
	s7 =	smul.u32 $0x500, s1  }
0x9: {  	s1 =	rddreg [dreg:$0x3];
	_ =	strace $0x80000047;
	s29 =	sshrl.u32 s10, $0x1  }
0xa: {  	s30 =	sshrl.u32 s11, $0x2;
	s9 =	sadd.s32 s8, s9;
	s10 =	ssub.s32 s10, s29  }
0xb: {  	s8 =	sshrl.u32 s8, $0x3;
	s11 =	sadd.s32 s30, s2;
	s9 =	sshrl.u32 s9, $0x3  }
0xc: {  	s7 =	sadd.s32 s7, s5;
	s9 =	sadd.s32 s9, s5;
	s5 =	sadd.s32 s6, s8  }
0xd: {  	s6 =	sor.u32 $0x1C01, s31;
	s7 =	sadd.s32 $0x2200, s7;
	s8 =	sadd.s32 $0xCA00, s9  }
0xe: {  	s9 =	smax.u32 s10, $0x1;
	s10 =	sshrl.u32 s11, $0x3;
	s11 =	simm.s32 $0x1  }
.LBB2_1:
0xf: {  	[spmem:s10], [sflag:s6] =	dma.local [hbm:s5], $0x2780  }
0x10: {  	_ =	swait.ge [sflag:s11], $0x2780  }
0x11: {  	[sflag:s11] =	ssyncset.done $0x0  }
0x12: {  	[sflag:s11] =	ssyncadd.s32 $0xFFFFD880  }
0x13: {  	[tilespmem:s3], [sflag:$0x1] =	stream.linear.gather [hbm4b:s7+s3], $0x2800, $0x38;
	[tilespmem:$0x1A400] =	vst v63  }
0x14: {  	_ =	swait.ge [sflag:s11], $0x2800  }
0x15: {  	[sflag:s11] =	ssyncset.done $0x0  }
0x16: {  	[sflag:s11] =	ssyncadd.s32 $0xFFFFD800  }
0x17: {  	[tilespmem:s12], [sflag:$0x1] =	stream.linear.gather [hbm4b:s4+s3], $0x4000, $0x38;
	[tilespmem:$0x1A400] =	vst v63  }
0x18: {  	_ =	swait.ge [sflag:s11], $0x4000  }
0x19: {  	[sflag:s11] =	ssyncset.done $0x0  }
0x1a: {  	[sflag:s11] =	ssyncadd.s32 $0xFFFFC000  }
0x1b: {  	s15 =	simm.s32 $0x0;
	[bflag:$0x0] =	sbarrier.arrive $0xFFFF  }
0x1c: {  	[spmem:s2] =	stream.indirect.scatter.add.f32 [tilespmem:s12], [sflag:$0x1], $0x80, s15, s13, $0xb8;
	[tilespmem:$0x1A400] =	vst v63  }
0x1d: {  	_ =	swait.ge [sflag:s11], $0x4000  }
0x1e: {  	s15 =	simm.s32 $0x200;
	[sflag:s11] =	ssyncset.done $0x0  }
.LBB2_2:
0x1f: {  	s16 =	sshra.s32 s15, $0x2;
	[sflag:s11] =	ssyncadd.s32 $0xFFFFC000;
	p0 =	sne.s32 s15, $0x9E00  }
0x20: {  	[spmem:s2] =	stream.indirect.scatter.add.f32 [tilespmem:s12], [sflag:$0x1], $0x80, s16, s13, $0xb8;
	[tilespmem:$0x1A400] =	vst v63  }
.Ltmp0:
0x21: {  	_ = 	snop;
	(pc) =	sbr.rel @p0 .LBB2_2-.Ltmp0, $4  }
0x22: {  	_ = 	snop  }
0x23: {  	s15 =	sadd.s32 $0x200, s15  }
0x24: {  	_ =	swait.ge [sflag:s11], $0x4000  }
0x25: {  	[sflag:s11] =	ssyncset.done $0x0  }
0x26: {  	s14 =	sadd.s32 $0x1, s14  }
0x27: {  	[sflag:s11] =	ssyncadd.s32 $0xFFFFC000;
	p0 =	sne.s32 s14, s9  }
.Ltmp1:
0x28: {  	[bflag:$0x0] =	sbarrier.arrive $0xFFFF;
	(pc) =	sbr.rel @p0 .LBB2_1-.Ltmp1, $4  }
0x29: {  	[hbm:s8], [sflag:s6] =	dma.local [spmem:s10], $0x2780  }
0x2a: {  	_ =	swait.ge [sflag:s11], $0x2780  }
0x2b: {  	[sflag:s11] =	ssyncset.done $0x0  }
0x2c: {  	[sflag:s11] =	ssyncadd.s32 $0xFFFFD880  }
0x2d: {  	_ =	sfence.sel $0x180000  }
0x2e: {  	[bflag:$0x0] =	sbarrier.arrive $0xFFFF  }
0x2f: {  	p0 =	sne.s32 s0, $0x0;
	_ =	strace $0x90000047  }
0x30: {  	s0 =	sadd.s32 @!p0 $0x100000, s1;
	[bflag:$0x2] =	sbarrier.arrive $0xFFFF  }
0x31: {  	[sflag:s0] =	ssyncadd.tile.s32 @!p0 $0x1;
	_ =	shalt  }
.Lfunc_end2:
_tile_overlayer_lowered:
.L_overlay_start_2:
0x32: {  	(tag) =	ssettag $0x2  }
0x33: {  	s0 =	rddreg [dreg:$0x0];
	s2 =	stileid.u32  }
0x34: {  	s1 =	rddreg [dreg:$0x1];
	p0 =	sne.s32 s2, $0x0  }
0x35: {  	s3 =	rddreg [dreg:$0x2];
	[bflag:$0x3] =	sbarrier.arrive $0xFFFF;
	s2 =	simm.s32 @!p0 $0x1C01  }
0x36: {  	[timem:s3], [sflag:s2] =	dma.local @!p0 [hbm:s0], s1  }
0x37: {  	s0 =	simm.s32 @!p0 $0x1  }
0x38: {  	_ =	swait.ge @!p0 [sflag:s0], s1  }
0x39: {  	s1 =	ssub.s32 @!p0 $0x0, s1;
	[sflag:s0] =	ssyncset.done @!p0 $0x0  }
0x3a: {  	[sflag:s0] =	ssyncadd.s32 @!p0 s1  }
0x3b: {  	[bflag:$0x3] =	sbarrier.arrive $0xFFFF  }
0x3c: {  	_ =	shalt  }

</sc_bundles>
